<compile_context>
chip_gen: v7x
topology: tpu7x:2x2x1
jax: 0.10.2.dev20260603
libtpu: 0.0.44.dev20260713+nightly
codegen_flags: <defaults>
</compile_context>

<pallas_src>
import functools
import math

import jax
import jax.numpy as jnp
from jax import lax
from jax.experimental import pallas as pl
from jax.experimental.pallas import tpu as pltpu
from jax.experimental.pallas import tpu_sc as plsc

B, S, D, H, E, TOPK, DFF = 1, 2048, 768, 12, 8, 2, 3072
DH = D // H
T = B * S
C = int(math.ceil(T * TOPK / E * 1.25))
CP1 = C + 1
NROWS = E * CP1
RB = 512
QB = 1024
FBLK = 1536
EPAD = 128
NEG = -1e30

NW = 32
NE = T * TOPK
EPW = NE // NW
CH = 128

def _sc_mesh():
    return plsc.VectorSubcoreMesh(core_axis_name="c", subcore_axis_name="s")



def _qkv_body(x1_ref, x2_ref, wq_ref, bq_ref, wk_ref, bk_ref, wv_ref, bv_ref,
              q_ref, k_ref, v_ref):
    bf = jnp.bfloat16
    x1 = x1_ref[...].astype(bf)
    x2 = x2_ref[...].astype(bf)
    q = (jnp.dot(x1, wq_ref[...].astype(bf), preferred_element_type=jnp.float32)
         + bq_ref[...]) * (1.0 / math.sqrt(DH))
    k = jnp.dot(x2, wk_ref[...].astype(bf), preferred_element_type=jnp.float32) + bk_ref[...]
    v = jnp.dot(x2, wv_ref[...].astype(bf), preferred_element_type=jnp.float32) + bv_ref[...]
    q_ref[...] = q.astype(bf)
    k_ref[...] = k.astype(bf)
    v_ref[...] = v.astype(bf)


def _attn_body(q_ref, k_ref, v_ref, o_ref):
    for j in range(2):
        sl = slice(j * DH, (j + 1) * DH)
        s = lax.dot_general(q_ref[:, sl], k_ref[:, sl], (((1,), (1,)), ((), ())),
                            preferred_element_type=jnp.float32)
        p = jnp.exp(s.astype(jnp.bfloat16))
        ssum = jnp.sum(p, axis=-1, keepdims=True, dtype=jnp.float32)
        o = jnp.dot(p, v_ref[:, sl], preferred_element_type=jnp.float32)
        o_ref[:, sl] = (o * (1.0 / ssum)).astype(jnp.bfloat16)


def _post_router_body(a_ref, x1_ref, wo_ref, bo_ref, g1_ref, b1_ref, wg_ref,
                      x_ref, dst_ref, g_ref, v_ref, aux_ref):
    y = (jnp.dot(a_ref[...], wo_ref[...].astype(jnp.bfloat16),
                 preferred_element_type=jnp.float32)
         + bo_ref[...] + x1_ref[...])
    mu = jnp.mean(y, axis=-1, keepdims=True)
    var = jnp.mean((y - mu) ** 2, axis=-1, keepdims=True)
    xn = (y - mu) / jnp.sqrt(var + 1e-5) * g1_ref[...] + b1_ref[...]
    x_ref[...] = xn
    wgp = jnp.concatenate(
        [wg_ref[...], jnp.zeros((D, EPAD - E), jnp.float32)], axis=1)
    logits = jnp.dot(xn, wgp, preferred_element_type=jnp.float32)
    lanes = lax.broadcasted_iota(jnp.int32, (T, EPAD), 1)
    lg = jnp.where(lanes < E, logits, NEG)
    m = jnp.max(lg, axis=-1, keepdims=True)
    ex = jnp.exp(lg - m)
    sx = jnp.sum(ex, axis=-1, keepdims=True)
    probs = ex / sx
    lse = m + jnp.log(sx)
    p0 = jnp.max(probs, axis=-1, keepdims=True)
    i0 = jnp.min(jnp.where(probs == p0, lanes, EPAD), axis=-1, keepdims=True)
    oh0 = (lanes == i0).astype(jnp.float32)
    probs1 = jnp.where(lanes == i0, -1.0, probs)
    p1 = jnp.max(probs1, axis=-1, keepdims=True)
    i1 = jnp.min(jnp.where(probs1 == p1, lanes, EPAD), axis=-1, keepdims=True)
    oh1 = (lanes == i1).astype(jnp.float32)
    ssum = p0 + p1
    g0 = p0 / ssum
    g1 = p1 / ssum
    moh = oh0 + oh1
    c = moh
    sh = 1
    while sh < T:
        c = c + jnp.concatenate(
            [jnp.zeros((sh, EPAD), jnp.float32), c[:-sh, :]], axis=0)
        sh *= 2
    excl = c - moh
    pos0 = jnp.sum(excl * oh0, axis=-1, keepdims=True)
    pos1 = jnp.sum(excl * oh1, axis=-1, keepdims=True)
    v0 = pos0 < C
    v1 = pos1 < C
    pc0 = jnp.minimum(pos0, C).astype(jnp.int32)
    pc1 = jnp.minimum(pos1, C).astype(jnp.int32)
    dst_ref[:, 0:1] = i0 * CP1 + pc0
    dst_ref[:, 1:2] = i1 * CP1 + pc1
    g_ref[:, 0:1] = jnp.where(v0, g0, 0.0)
    g_ref[:, 1:2] = jnp.where(v1, g1, 0.0)
    v_ref[:, 0:1] = v0.astype(jnp.float32)
    v_ref[:, 1:2] = v1.astype(jnp.float32)
    counts = jnp.sum(moh, axis=0, keepdims=True)
    me = jnp.mean(probs, axis=0, keepdims=True)
    ce = counts / (T * TOPK)
    balance = E * jnp.sum(me * ce)
    zloss = jnp.mean(lse ** 2)
    aux_ref[...] = (0.01 * balance + 0.001 * zloss).reshape(1, 1)


def _ffn_body(buf_ref, w1_ref, b1_ref, w2_ref, b2_ref, eo_ref):
    f = pl.program_id(1)

    @pl.when(f == 0)
    def _():
        eo_ref[...] = jnp.broadcast_to(b2_ref[...], eo_ref.shape)

    h = jnp.dot(buf_ref[0].astype(jnp.bfloat16), w1_ref[0].astype(jnp.bfloat16),
                preferred_element_type=jnp.float32) + b1_ref[0]
    h = jax.nn.gelu(h).astype(jnp.bfloat16)
    eo_ref[...] += jnp.dot(h, w2_ref[0].astype(jnp.bfloat16),
                           preferred_element_type=jnp.float32)[None]


def _final_body(x_ref, y0_ref, y1_ref, g_ref, v_ref, lng_ref, lnb_ref, o_ref):
    w0 = g_ref[:, 0:1]
    w1 = g_ref[:, 1:2]
    v0 = v_ref[:, 0:1]
    v1 = v_ref[:, 1:2]
    r = (x_ref[...]
         + jnp.where(v0 > 0.5, y0_ref[...] * w0, 0.0)
         + jnp.where(v1 > 0.5, y1_ref[...] * w1, 0.0))
    mu = jnp.mean(r, axis=-1, keepdims=True)
    var = jnp.mean((r - mu) ** 2, axis=-1, keepdims=True)
    xn = (r - mu) / jnp.sqrt(var + 1e-5) * lng_ref[...] + lnb_ref[...]
    part = jnp.sum(xn, axis=0, keepdims=True)

    @pl.when(pl.program_id(0) == 0)
    def _():
        o_ref[...] = jnp.zeros_like(o_ref)

    o_ref[...] += part

    @pl.when(pl.program_id(0) == pl.num_programs(0) - 1)
    def _():
        o_ref[...] = o_ref[...] * (1.0 / S)



def _dispatch(x, dst_a):

    @functools.partial(
        pl.kernel,
        out_type=jax.ShapeDtypeStruct((NROWS, D), jnp.float32),
        mesh=_sc_mesh(),
        scratch_types=[pltpu.VMEM((CH,), jnp.int32),
                       pltpu.VMEM((CH, D), jnp.float32)],
    )
    def k(x_hbm, idx_hbm, buf_hbm, idx_v, rows_v):
        wid = lax.axis_index("s") * 2 + lax.axis_index("c")

        @pl.loop(0, EPW // CH)
        def _(ci):
            ent = wid * EPW + ci * CH
            tok = lax.rem(ent, T)
            pltpu.sync_copy(idx_hbm.at[wid, ci], idx_v)
            pltpu.sync_copy(x_hbm.at[pl.ds(tok, CH)], rows_v)
            pltpu.sync_copy(rows_v, buf_hbm.at[idx_v])

    return k(x, dst_a)


def _combine(eo_flat, dst_a):

    @functools.partial(
        pl.kernel,
        out_type=jax.ShapeDtypeStruct((NE, D), jnp.float32),
        mesh=_sc_mesh(),
        scratch_types=[pltpu.VMEM((CH,), jnp.int32),
                       pltpu.VMEM((CH, D), jnp.float32),
                       pltpu.SemaphoreType.DMA],
    )
    def k(eo_hbm, idx_hbm, y_hbm, idx_v, rows_v, sem):
        wid = lax.axis_index("s") * 2 + lax.axis_index("c")

        @pl.loop(0, EPW // CH)
        def _(ci):
            ent = wid * EPW + ci * CH
            pltpu.sync_copy(idx_hbm.at[wid, ci], idx_v)
            pltpu.async_copy(eo_hbm.at[idx_v], rows_v, sem).wait()
            pltpu.sync_copy(rows_v, y_hbm.at[pl.ds(ent, CH)])

    return k(eo_flat, dst_a)



def kernel(x1, x2, Wq, bq, Wk, bk, Wv, bv, Wo, bo, ln1_g, ln1_b,
           Wg, W1, b1, W2, b2, ln2_g, ln2_b):
    f32 = jnp.float32
    bf16 = jnp.bfloat16
    x1f = x1.reshape(S, D)
    x2f = x2.reshape(S, D)
    bq2 = bq.reshape(1, D)
    bk2 = bk.reshape(1, D)
    bv2 = bv.reshape(1, D)
    bo2 = bo.reshape(1, D)
    ln1g2 = ln1_g.reshape(1, D)
    ln1b2 = ln1_b.reshape(1, D)
    ln2g2 = ln2_g.reshape(1, D)
    ln2b2 = ln2_b.reshape(1, D)
    b1r = b1.reshape(E, 1, DFF)
    b2r = b2.reshape(E, 1, D)

    full = lambda shape: pl.BlockSpec(shape, lambda *_: tuple(0 for _ in shape))

    q, k, v = pl.pallas_call(
        _qkv_body,
        grid=(S // RB,),
        in_specs=[
            pl.BlockSpec((RB, D), lambda i: (i, 0)),
            pl.BlockSpec((RB, D), lambda i: (i, 0)),
            full((D, D)), full((1, D)),
            full((D, D)), full((1, D)),
            full((D, D)), full((1, D)),
        ],
        out_specs=[pl.BlockSpec((RB, D), lambda i: (i, 0))] * 3,
        out_shape=[jax.ShapeDtypeStruct((S, D), bf16)] * 3,
    )(x1f, x2f, Wq, bq2, Wk, bk2, Wv, bv2)

    attn = pl.pallas_call(
        _attn_body,
        grid=(H // 2, S // QB),
        in_specs=[
            pl.BlockSpec((QB, 2 * DH), lambda h, i: (i, h)),
            pl.BlockSpec((S, 2 * DH), lambda h, i: (0, h)),
            pl.BlockSpec((S, 2 * DH), lambda h, i: (0, h)),
        ],
        out_specs=pl.BlockSpec((QB, 2 * DH), lambda h, i: (i, h)),
        out_shape=jax.ShapeDtypeStruct((S, D), bf16),
    )(q, k, v)

    x, dst, gates, vmask, aux_arr = pl.pallas_call(
        _post_router_body,
        grid=(1,),
        in_specs=[
            full((S, D)), full((S, D)),
            full((D, D)), full((1, D)), full((1, D)), full((1, D)),
            full((D, E)),
        ],
        out_specs=[full((S, D)), full((T, 2)), full((T, 2)), full((T, 2)),
                   full((1, 1))],
        out_shape=[jax.ShapeDtypeStruct((S, D), f32),
                   jax.ShapeDtypeStruct((T, 2), jnp.int32),
                   jax.ShapeDtypeStruct((T, 2), f32),
                   jax.ShapeDtypeStruct((T, 2), f32),
                   jax.ShapeDtypeStruct((1, 1), f32)],
    )(attn, x1f, Wo, bo2, ln1g2, ln1b2, Wg)

    dst_a = jnp.transpose(dst, (1, 0)).reshape(NW, EPW // CH, CH)

    buf = _dispatch(x, dst_a)

    eo = pl.pallas_call(
        _ffn_body,
        grid=(E, DFF // FBLK),
        in_specs=[
            pl.BlockSpec((1, CP1, D), lambda e, f: (e, 0, 0)),
            pl.BlockSpec((1, D, FBLK), lambda e, f: (e, 0, f)),
            pl.BlockSpec((1, 1, FBLK), lambda e, f: (e, 0, f)),
            pl.BlockSpec((1, FBLK, D), lambda e, f: (e, f, 0)),
            pl.BlockSpec((1, 1, D), lambda e, f: (e, 0, 0)),
        ],
        out_specs=pl.BlockSpec((1, CP1, D), lambda e, f: (e, 0, 0)),
        out_shape=jax.ShapeDtypeStruct((E, CP1, D), f32),
    )(buf.reshape(E, CP1, D), W1, b1r, W2, b2r)

    y = _combine(eo.reshape(NROWS, D), dst_a)

    out = pl.pallas_call(
        _final_body,
        grid=(S // RB,),
        in_specs=[
            pl.BlockSpec((RB, D), lambda i: (i, 0)),
            pl.BlockSpec((RB, D), lambda i: (i, 0)),
            pl.BlockSpec((RB, D), lambda i: (i + S // RB, 0)),
            pl.BlockSpec((RB, 2), lambda i: (i, 0)),
            pl.BlockSpec((RB, 2), lambda i: (i, 0)),
            full((1, D)), full((1, D)),
        ],
        out_specs=pl.BlockSpec((1, D), lambda i: (0, 0)),
        out_shape=jax.ShapeDtypeStruct((1, D), f32),
    )(x, y, y, gates, vmask, ln2g2, ln2b2)

    return out, aux_arr[0, 0]

# --- scband reference (transcript-rebuilt; emitter-appended) ---
"""Pipeline reference for scband-mo-efusion-head-21981642621064 (READ-ONLY COPY).

The authoritative reference and input builder live on the scoring server;
editing this copy changes nothing except your own understanding.
"""

import jax, jax.numpy as jnp
import numpy as np
import math

B, S, D, H, E, TOPK, DFF = 1, 2048, 768, 12, 8, 2, 3072
CAP_FACTOR = 1.25

def setup_inputs(seed: int = 0):
    key = jax.random.key(seed)
    ks = jax.random.split(key, 24)
    def p(k, shape, s=0.02):
        return jax.random.normal(k, shape, dtype=jnp.float32) * s
    inp = {}
    inp['x1'] = jax.random.normal(ks[0], (B, S, D), dtype=jnp.float32)
    inp['x2'] = jax.random.normal(ks[1], (B, S, D), dtype=jnp.float32)
    inp['Wq'] = p(ks[2], (D, D)); inp['bq'] = jnp.zeros((D,), jnp.float32)
    inp['Wk'] = p(ks[3], (D, D)); inp['bk'] = jnp.zeros((D,), jnp.float32)
    inp['Wv'] = p(ks[4], (D, D)); inp['bv'] = jnp.zeros((D,), jnp.float32)
    inp['Wo'] = p(ks[5], (D, D)); inp['bo'] = jnp.zeros((D,), jnp.float32)
    inp['ln1_g'] = jnp.ones((D,), jnp.float32); inp['ln1_b'] = jnp.zeros((D,), jnp.float32)
    inp['Wg'] = p(ks[6], (D, E))
    inp['W1'] = p(ks[7], (E, D, DFF)); inp['b1'] = jnp.zeros((E, DFF), jnp.float32)
    inp['W2'] = p(ks[8], (E, DFF, D)); inp['b2'] = jnp.zeros((E, D), jnp.float32)
    inp['ln2_g'] = jnp.ones((D,), jnp.float32); inp['ln2_b'] = jnp.zeros((D,), jnp.float32)
    return inp

def _ln(x, g, b, eps=1e-5):
    m = x.mean(-1, keepdims=True)
    v = ((x - m) ** 2).mean(-1, keepdims=True)
    return (x - m) / jnp.sqrt(v + eps) * g + b

def _mha(q, k, v, Wq, bq, Wk, bk, Wv, bv, Wo, bo):
    Bq, Sq, d = q.shape
    Sk = k.shape[1]
    dh = d // H
    Q = (q @ Wq + bq).reshape(Bq, Sq, H, dh).transpose(0, 2, 1, 3)
    K = (k @ Wk + bk).reshape(Bq, Sk, H, dh).transpose(0, 2, 1, 3)
    V = (v @ Wv + bv).reshape(Bq, Sk, H, dh).transpose(0, 2, 1, 3)
    scores = jnp.einsum('bhqd,bhkd->bhqk', Q, K) / jnp.sqrt(jnp.float32(dh))
    A = jax.nn.softmax(scores, axis=-1)
    O = jnp.einsum('bhqk,bhkd->bhqd', A, V)
    O = O.transpose(0, 2, 1, 3).reshape(Bq, Sq, d)
    return O @ Wo + bo

def _moe(x, Wg, W1, b1, W2, b2):
    T, d = x.shape
    logits = x @ Wg
    probs = jax.nn.softmax(logits, axis=-1)
    gvals, gidx = jax.lax.top_k(probs, TOPK)
    gvals = gvals / gvals.sum(-1, keepdims=True)
    # aux losses (st-moe style): balance loss + router z-loss
    me = probs.mean(0)
    ce = jnp.zeros((E,), jnp.float32).at[gidx.reshape(-1)].add(1.0) / (T * TOPK)
    balance = E * jnp.sum(me * ce)
    zloss = jnp.mean(jax.nn.logsumexp(logits, axis=-1) ** 2)
    aux = 0.01 * balance + 0.001 * zloss
    # capacity-based dispatch
    C = int(math.ceil(T * TOPK / E * CAP_FACTOR))
    flat_e = gidx.reshape(-1)
    flat_g = gvals.reshape(-1)
    flat_t = jnp.repeat(jnp.arange(T), TOPK)
    order = jnp.argsort(flat_e)
    se = flat_e[order]; st = flat_t[order]; sg = flat_g[order]
    counts = jnp.bincount(flat_e, length=E)
    starts = jnp.cumsum(counts) - counts
    pos = jnp.arange(T * TOPK) - starts[se]
    valid = pos < C
    pos_c = jnp.where(valid, pos, C)
    buf = jnp.zeros((E, C + 1, d), x.dtype).at[se, pos_c].set(x[st])
    h = jax.nn.gelu(jnp.einsum('ecd,edf->ecf', buf, W1) + b1[:, None, :])
    eo = jnp.einsum('ecf,efd->ecd', h, W2) + b2[:, None, :]
    y = eo[se, pos_c]
    y = jnp.where(valid[:, None], y, 0.0)
    out = jnp.zeros((T, d), x.dtype).at[st].add(y * sg[:, None])
    return out, aux

def reference(x1, x2, Wq, bq, Wk, bk, Wv, bv, Wo, bo, ln1_g, ln1_b, Wg, W1, b1, W2, b2, ln2_g, ln2_b):
    attn = _mha(x1, x2, x2, Wq, bq, Wk, bk, Wv, bv, Wo, bo)
    x = _ln(x1 + attn, ln1_g, ln1_b)
    Bx, Sx, d = x.shape
    moe_out, aux = _moe(x.reshape(Bx * Sx, d), Wg, W1, b1, W2, b2)
    x = _ln(x + moe_out.reshape(Bx, Sx, d), ln2_g, ln2_b)
    out = x.mean(axis=1)  # AdaptiveAvgPool1d(1) over seq then squeeze
    return (out, aux)

if __name__ == "__main__":
    import jax
    _d = setup_inputs()
    print(jax.jit(kernel)(*tuple(_d.values())))

</pallas_src>

<mosaic_0001>
#map = affine_map<(d0, d1) -> (0, 0)>
#map1 = affine_map<(d0, d1) -> (0, 0, 0)>
module attributes {stable_mosaic.version = 14 : i64} {
  func.func @k(%arg0: i32, %arg1: i32, %arg2: memref<2048x768xf32, #tpu.memory_space<hbm>>, %arg3: memref<32x1x128xi32, #tpu.memory_space<hbm>>, %arg4: memref<5128x768xf32, #tpu.memory_space<hbm>>, %arg5: memref<128xi32, #tpu.memory_space<vmem>>, %arg6: memref<128x768xf32, #tpu.memory_space<vmem>>) attributes {dimension_semantics = [#tpu.dimension_semantics<core_parallel>, #tpu.dimension_semantics<subcore_parallel>], iteration_bounds = array<i64: 2, 16>, scalar_prefetch = 0 : i64, scratch_operands = 2 : i64, tpu.core_type = #tpu.core_type<sc_vector_subcore>, window_params = [{transform_indices = #map}, {transform_indices = #map1}, {transform_indices = #map}]} {
    %mul3A = arith.constant 2 : i32
    %mul3A_0 = arith.muli %arg1, %mul3A : i32
    %add3A = arith.addi %mul3A_0, %arg0 : i32
    %scan3A = arith.constant 0 : i32
    %mul3A_1 = arith.constant 1 : i32
    %mul3A_2 = arith.muli %scan3A, %mul3A_1 : i32
    %add3A_3 = arith.constant 0 : i32
    %add3A_4 = arith.addi %add3A_3, %mul3A_2 : i32
    %mul3A_5 = arith.constant 128 : i32
    %mul3A_6 = arith.muli %add3A, %mul3A_5 : i32
    %mul3A_7 = arith.constant 128 : i32
    %mul3A_8 = arith.muli %add3A_4, %mul3A_7 : i32
    %add3A_9 = arith.addi %mul3A_6, %mul3A_8 : i32
    %rem3A = arith.constant 2048 : i32
    %rem3A_10 = arith.remsi %add3A_9, %rem3A : i32
    "tpu.region"() ({
      %run_scoped3A = tpu.sem_alloc : memref<!tpu.dma_semaphore, #tpu.memory_space<semaphore_mem>>
      %dma_start3A = arith.constant 0 : i32
      %dma_start3A_12 = tpu.memref_slice %arg3[%add3A, %add3A_4, %dma_start3A] : memref<32x1x128xi32, #tpu.memory_space<hbm>> -> memref<1x1x128xi32, #tpu.memory_space<hbm>>
      %dma_start3A_13 = tpu.memref_squeeze %dma_start3A_12 : memref<1x1x128xi32, #tpu.memory_space<hbm>> -> memref<128xi32, #tpu.memory_space<hbm>>
      %dma_start3A_14 = arith.constant 0 : i32
      %dma_start3A_15 = tpu.memref_slice %arg3[%add3A, %add3A_4, %dma_start3A_14] : memref<32x1x128xi32, #tpu.memory_space<hbm>> -> memref<1x1x128xi32, #tpu.memory_space<hbm>>
      %dma_start3A_16 = tpu.memref_squeeze %dma_start3A_15 : memref<1x1x128xi32, #tpu.memory_space<hbm>> -> memref<128xi32, #tpu.memory_space<hbm>>
      tpu.enqueue_dma source(%dma_start3A_16 : memref<128xi32, #tpu.memory_space<hbm>>) target(%arg5 : memref<128xi32, #tpu.memory_space<vmem>>) target_semaphore(%run_scoped3A : memref<!tpu.dma_semaphore, #tpu.memory_space<semaphore_mem>>)
      %dma_wait3A = arith.constant 0 : i32
      %dma_wait3A_17 = tpu.memref_slice %arg3[%add3A, %add3A_4, %dma_wait3A] : memref<32x1x128xi32, #tpu.memory_space<hbm>> -> memref<1x1x128xi32, #tpu.memory_space<hbm>>
      %dma_wait3A_18 = tpu.memref_squeeze %dma_wait3A_17 : memref<1x1x128xi32, #tpu.memory_space<hbm>> -> memref<128xi32, #tpu.memory_space<hbm>>
      %dma_wait3A_19 = arith.constant 0 : i32
      %dma_wait3A_20 = tpu.memref_slice %arg3[%add3A, %add3A_4, %dma_wait3A_19] : memref<32x1x128xi32, #tpu.memory_space<hbm>> -> memref<1x1x128xi32, #tpu.memory_space<hbm>>
      %dma_wait3A_21 = tpu.memref_squeeze %dma_wait3A_20 : memref<1x1x128xi32, #tpu.memory_space<hbm>> -> memref<128xi32, #tpu.memory_space<hbm>>
      tpu.wait_dma2 semaphore(%run_scoped3A : memref<!tpu.dma_semaphore, #tpu.memory_space<semaphore_mem>>) src(%dma_wait3A_21 : memref<128xi32, #tpu.memory_space<hbm>>) dst(%arg5 : memref<128xi32, #tpu.memory_space<vmem>>)
      tpu.yield
    }) : () -> ()
    "tpu.region"() ({
      %run_scoped3A = tpu.sem_alloc : memref<!tpu.dma_semaphore, #tpu.memory_space<semaphore_mem>>
      %dma_start3A = arith.constant 0 : i32
      %dma_start3A_12 = tpu.memref_slice %arg2[%rem3A_10, %dma_start3A] : memref<2048x768xf32, #tpu.memory_space<hbm>> -> memref<128x768xf32, #tpu.memory_space<hbm>>
      %dma_start3A_13 = arith.constant 0 : i32
      %dma_start3A_14 = tpu.memref_slice %arg2[%rem3A_10, %dma_start3A_13] : memref<2048x768xf32, #tpu.memory_space<hbm>> -> memref<128x768xf32, #tpu.memory_space<hbm>>
      tpu.enqueue_dma source(%dma_start3A_14 : memref<128x768xf32, #tpu.memory_space<hbm>>) target(%arg6 : memref<128x768xf32, #tpu.memory_space<vmem>>) target_semaphore(%run_scoped3A : memref<!tpu.dma_semaphore, #tpu.memory_space<semaphore_mem>>)
      %dma_wait3A = arith.constant 0 : i32
      %dma_wait3A_15 = tpu.memref_slice %arg2[%rem3A_10, %dma_wait3A] : memref<2048x768xf32, #tpu.memory_space<hbm>> -> memref<128x768xf32, #tpu.memory_space<hbm>>
      %dma_wait3A_16 = arith.constant 0 : i32
      %dma_wait3A_17 = tpu.memref_slice %arg2[%rem3A_10, %dma_wait3A_16] : memref<2048x768xf32, #tpu.memory_space<hbm>> -> memref<128x768xf32, #tpu.memory_space<hbm>>
      tpu.wait_dma2 semaphore(%run_scoped3A : memref<!tpu.dma_semaphore, #tpu.memory_space<semaphore_mem>>) src(%dma_wait3A_17 : memref<128x768xf32, #tpu.memory_space<hbm>>) dst(%arg6 : memref<128x768xf32, #tpu.memory_space<vmem>>)
      tpu.yield
    }) : () -> ()
    "tpu.region"() ({
      %run_scoped3A = tpu.sem_alloc : memref<!tpu.dma_semaphore, #tpu.memory_space<semaphore_mem>>
      %dma_start3A = arith.constant 0 : i32
      %dma_start3A_12 = arith.constant 0 : i32
      %dma_start3A_13 = tpu.memref_slice %arg4[%dma_start3A, %dma_start3A_12] : memref<5128x768xf32, #tpu.memory_space<hbm>> -> memref<5128x768xf32, #tpu.memory_space<hbm>>
      tpu.enqueue_indirect_dma source(%arg6 : memref<128x768xf32, #tpu.memory_space<vmem>>) target(%dma_start3A_13 : memref<5128x768xf32, #tpu.memory_space<hbm>>) offsets(%arg5 : memref<128xi32, #tpu.memory_space<vmem>>) semaphore(%run_scoped3A : memref<!tpu.dma_semaphore, #tpu.memory_space<semaphore_mem>>)
      %dma_wait3A = arith.constant 0 : i32
      %dma_wait3A_14 = arith.constant 0 : i32
      %dma_wait3A_15 = tpu.memref_slice %arg4[%dma_wait3A, %dma_wait3A_14] : memref<5128x768xf32, #tpu.memory_space<hbm>> -> memref<5128x768xf32, #tpu.memory_space<hbm>>
      tpu.wait_indirect_dma semaphore(%run_scoped3A : memref<!tpu.dma_semaphore, #tpu.memory_space<semaphore_mem>>) src(%arg6 : memref<128x768xf32, #tpu.memory_space<vmem>>) dst(%dma_wait3A_15 : memref<5128x768xf32, #tpu.memory_space<hbm>>)
      tpu.yield
    }) : () -> ()
    %scan3A_11 = arith.constant 1 : i32
    return
  }
}

#map = affine_map<(d0, d1) -> (0, 0)>
#map1 = affine_map<(d0, d1) -> (0, 0, 0)>
module attributes {stable_mosaic.version = 14 : i64} {
  func.func @k(%arg0: i32, %arg1: i32, %arg2: memref<5128x768xf32, #tpu.memory_space<hbm>>, %arg3: memref<32x1x128xi32, #tpu.memory_space<hbm>>, %arg4: memref<4096x768xf32, #tpu.memory_space<hbm>>, %arg5: memref<128xi32, #tpu.memory_space<vmem>>, %arg6: memref<128x768xf32, #tpu.memory_space<vmem>>, %arg7: memref<!tpu.dma_semaphore, #tpu.memory_space<semaphore_mem>>) attributes {dimension_semantics = [#tpu.dimension_semantics<core_parallel>, #tpu.dimension_semantics<subcore_parallel>], iteration_bounds = array<i64: 2, 16>, scalar_prefetch = 0 : i64, scratch_operands = 3 : i64, tpu.core_type = #tpu.core_type<sc_vector_subcore>, window_params = [{transform_indices = #map}, {transform_indices = #map1}, {transform_indices = #map}]} {
    %mul3A = arith.constant 2 : i32
    %mul3A_0 = arith.muli %arg1, %mul3A : i32
    %add3A = arith.addi %mul3A_0, %arg0 : i32
    %scan3A = arith.constant 0 : i32
    %mul3A_1 = arith.constant 1 : i32
    %mul3A_2 = arith.muli %scan3A, %mul3A_1 : i32
    %add3A_3 = arith.constant 0 : i32
    %add3A_4 = arith.addi %add3A_3, %mul3A_2 : i32
    %mul3A_5 = arith.constant 128 : i32
    %mul3A_6 = arith.muli %add3A, %mul3A_5 : i32
    %mul3A_7 = arith.constant 128 : i32
    %mul3A_8 = arith.muli %add3A_4, %mul3A_7 : i32
    %add3A_9 = arith.addi %mul3A_6, %mul3A_8 : i32
    "tpu.region"() ({
      %run_scoped3A = tpu.sem_alloc : memref<!tpu.dma_semaphore, #tpu.memory_space<semaphore_mem>>
      %dma_start3A_15 = arith.constant 0 : i32
      %dma_start3A_16 = tpu.memref_slice %arg3[%add3A, %add3A_4, %dma_start3A_15] : memref<32x1x128xi32, #tpu.memory_space<hbm>> -> memref<1x1x128xi32, #tpu.memory_space<hbm>>
      %dma_start3A_17 = tpu.memref_squeeze %dma_start3A_16 : memref<1x1x128xi32, #tpu.memory_space<hbm>> -> memref<128xi32, #tpu.memory_space<hbm>>
      %dma_start3A_18 = arith.constant 0 : i32
      %dma_start3A_19 = tpu.memref_slice %arg3[%add3A, %add3A_4, %dma_start3A_18] : memref<32x1x128xi32, #tpu.memory_space<hbm>> -> memref<1x1x128xi32, #tpu.memory_space<hbm>>
      %dma_start3A_20 = tpu.memref_squeeze %dma_start3A_19 : memref<1x1x128xi32, #tpu.memory_space<hbm>> -> memref<128xi32, #tpu.memory_space<hbm>>
      tpu.enqueue_dma source(%dma_start3A_20 : memref<128xi32, #tpu.memory_space<hbm>>) target(%arg5 : memref<128xi32, #tpu.memory_space<vmem>>) target_semaphore(%run_scoped3A : memref<!tpu.dma_semaphore, #tpu.memory_space<semaphore_mem>>)
      %dma_wait3A_21 = arith.constant 0 : i32
      %dma_wait3A_22 = tpu.memref_slice %arg3[%add3A, %add3A_4, %dma_wait3A_21] : memref<32x1x128xi32, #tpu.memory_space<hbm>> -> memref<1x1x128xi32, #tpu.memory_space<hbm>>
      %dma_wait3A_23 = tpu.memref_squeeze %dma_wait3A_22 : memref<1x1x128xi32, #tpu.memory_space<hbm>> -> memref<128xi32, #tpu.memory_space<hbm>>
      %dma_wait3A_24 = arith.constant 0 : i32
      %dma_wait3A_25 = tpu.memref_slice %arg3[%add3A, %add3A_4, %dma_wait3A_24] : memref<32x1x128xi32, #tpu.memory_space<hbm>> -> memref<1x1x128xi32, #tpu.memory_space<hbm>>
      %dma_wait3A_26 = tpu.memref_squeeze %dma_wait3A_25 : memref<1x1x128xi32, #tpu.memory_space<hbm>> -> memref<128xi32, #tpu.memory_space<hbm>>
      tpu.wait_dma2 semaphore(%run_scoped3A : memref<!tpu.dma_semaphore, #tpu.memory_space<semaphore_mem>>) src(%dma_wait3A_26 : memref<128xi32, #tpu.memory_space<hbm>>) dst(%arg5 : memref<128xi32, #tpu.memory_space<vmem>>)
      tpu.yield
    }) : () -> ()
    %dma_start3A = arith.constant 0 : i32
    %dma_start3A_10 = arith.constant 0 : i32
    %dma_start3A_11 = tpu.memref_slice %arg2[%dma_start3A, %dma_start3A_10] : memref<5128x768xf32, #tpu.memory_space<hbm>> -> memref<5128x768xf32, #tpu.memory_space<hbm>>
    tpu.enqueue_indirect_dma source(%dma_start3A_11 : memref<5128x768xf32, #tpu.memory_space<hbm>>) target(%arg6 : memref<128x768xf32, #tpu.memory_space<vmem>>) offsets(%arg5 : memref<128xi32, #tpu.memory_space<vmem>>) semaphore(%arg7 : memref<!tpu.dma_semaphore, #tpu.memory_space<semaphore_mem>>)
    %dma_wait3A = arith.constant 0 : i32
    %dma_wait3A_12 = arith.constant 0 : i32
    %dma_wait3A_13 = tpu.memref_slice %arg2[%dma_wait3A, %dma_wait3A_12] : memref<5128x768xf32, #tpu.memory_space<hbm>> -> memref<5128x768xf32, #tpu.memory_space<hbm>>
    tpu.wait_indirect_dma semaphore(%arg7 : memref<!tpu.dma_semaphore, #tpu.memory_space<semaphore_mem>>) src(%dma_wait3A_13 : memref<5128x768xf32, #tpu.memory_space<hbm>>) dst(%arg6 : memref<128x768xf32, #tpu.memory_space<vmem>>)
    "tpu.region"() ({
      %run_scoped3A = tpu.sem_alloc : memref<!tpu.dma_semaphore, #tpu.memory_space<semaphore_mem>>
      %dma_start3A_15 = arith.constant 0 : i32
      %dma_start3A_16 = tpu.memref_slice %arg4[%add3A_9, %dma_start3A_15] : memref<4096x768xf32, #tpu.memory_space<hbm>> -> memref<128x768xf32, #tpu.memory_space<hbm>>
      %dma_start3A_17 = arith.constant 0 : i32
      %dma_start3A_18 = tpu.memref_slice %arg4[%add3A_9, %dma_start3A_17] : memref<4096x768xf32, #tpu.memory_space<hbm>> -> memref<128x768xf32, #tpu.memory_space<hbm>>
      tpu.enqueue_dma source(%arg6 : memref<128x768xf32, #tpu.memory_space<vmem>>) target(%dma_start3A_18 : memref<128x768xf32, #tpu.memory_space<hbm>>) target_semaphore(%run_scoped3A : memref<!tpu.dma_semaphore, #tpu.memory_space<semaphore_mem>>)
      %dma_wait3A_19 = arith.constant 0 : i32
      %dma_wait3A_20 = tpu.memref_slice %arg4[%add3A_9, %dma_wait3A_19] : memref<4096x768xf32, #tpu.memory_space<hbm>> -> memref<128x768xf32, #tpu.memory_space<hbm>>
      %dma_wait3A_21 = arith.constant 0 : i32
      %dma_wait3A_22 = tpu.memref_slice %arg4[%add3A_9, %dma_wait3A_21] : memref<4096x768xf32, #tpu.memory_space<hbm>> -> memref<128x768xf32, #tpu.memory_space<hbm>>
      tpu.wait_dma2 semaphore(%run_scoped3A : memref<!tpu.dma_semaphore, #tpu.memory_space<semaphore_mem>>) src(%arg6 : memref<128x768xf32, #tpu.memory_space<vmem>>) dst(%dma_wait3A_22 : memref<128x768xf32, #tpu.memory_space<hbm>>)
      tpu.yield
    }) : () -> ()
    %scan3A_14 = arith.constant 1 : i32
    return
  }
}

module attributes {stable_mosaic.version = 14 : i64} {
  func.func @_attn_body(%arg0: i32, %arg1: i32, %arg2: memref<1024x128xbf16, #tpu.memory_space<vmem>>, %arg3: memref<2048x128xbf16, #tpu.memory_space<vmem>>, %arg4: memref<2048x128xbf16, #tpu.memory_space<vmem>>, %arg5: memref<1024x128xbf16, #tpu.memory_space<vmem>>) attributes {dimension_semantics = [#tpu.dimension_semantics<arbitrary>, #tpu.dimension_semantics<arbitrary>], iteration_bounds = array<i64: 6, 2>, scalar_prefetch = 0 : i64, scratch_operands = 0 : i64, tpu.core_type = #tpu.core_type<tc>, window_params = [{transform_indices = @transform_0, window_bounds = array<i64: 1024, 128>}, {transform_indices = @transform_1, window_bounds = array<i64: 2048, 128>}, {transform_indices = @transform_2, window_bounds = array<i64: 2048, 128>}, {transform_indices = @transform_3, window_bounds = array<i64: 1024, 128>}]} {
    %get3A = arith.constant 0 : index
    %get3A_0 = arith.constant 0 : index
    %get3A_1 = vector.load %arg2[%get3A, %get3A_0] : memref<1024x128xbf16, #tpu.memory_space<vmem>>, vector<1024x64xbf16>
    %get3A_2 = arith.constant 0 : index
    %get3A_3 = arith.constant 0 : index
    %get3A_4 = vector.load %arg3[%get3A_2, %get3A_3] : memref<2048x128xbf16, #tpu.memory_space<vmem>>, vector<2048x64xbf16>
    %dot_general3A = arith.constant dense<0.000000e+00> : vector<1024x2048xf32>
    %dot_general3A_5 = tpu.matmul %get3A_1, %get3A_4, %dot_general3A {dimension_numbers = #tpu.dot_dimension_numbers<[1], [1], [0], [0], [0, 0, 1, 0], [], []>, transpose_lhs_hint = false} : vector<1024x64xbf16>, vector<2048x64xbf16>, vector<1024x2048xf32> -> vector<1024x2048xf32>
    %convert_element_type3A = arith.truncf %dot_general3A_5 : vector<1024x2048xf32> to vector<1024x2048xbf16>
    %exp3A = math.exp %convert_element_type3A : vector<1024x2048xbf16>
    %convert_element_type3A_6 = arith.extf %exp3A : vector<1024x2048xbf16> to vector<1024x2048xf32>
    %reduce_sum3A = arith.constant dense<0.000000e+00> : vector<1024xf32>
    %reduce_sum3A_7 = vector.multi_reduction <add>, %convert_element_type3A_6, %reduce_sum3A [1] : vector<1024x2048xf32> to vector<1024xf32>
    %broadcast_in_dim3A = vector.shape_cast %reduce_sum3A_7 : vector<1024xf32> to vector<1024x1xf32>
    %get3A_8 = arith.constant 0 : index
    %get3A_9 = arith.constant 0 : index
    %get3A_10 = vector.load %arg4[%get3A_8, %get3A_9] : memref<2048x128xbf16, #tpu.memory_space<vmem>>, vector<2048x64xbf16>
    %dot_general3A_11 = arith.constant dense<0.000000e+00> : vector<1024x64xf32>
    %dot_general3A_12 = tpu.matmul %exp3A, %get3A_10, %dot_general3A_11 {dimension_numbers = #tpu.dot_dimension_numbers<[1], [0], [0], [1], [0, 0, 1, 1], [], []>, transpose_lhs_hint = false} : vector<1024x2048xbf16>, vector<2048x64xbf16>, vector<1024x64xf32> -> vector<1024x64xf32>
    %div3A = arith.constant 1.000000e+00 : f32
    %div3A_13 = vector.broadcast %div3A : f32 to vector<1024x1xf32>
    %div3A_14 = arith.divf %div3A_13, %broadcast_in_dim3A : vector<1024x1xf32>
    %mul3A = vector.broadcast %div3A_14 : vector<1024x1xf32> to vector<1024x64xf32>
    %mul3A_15 = arith.mulf %dot_general3A_12, %mul3A : vector<1024x64xf32>
    %convert_element_type3A_16 = arith.truncf %mul3A_15 : vector<1024x64xf32> to vector<1024x64xbf16>
    %swap3A = arith.constant 0 : index
    %swap3A_17 = arith.constant 0 : index
    %swap3A_18 = vector.load %arg5[%swap3A, %swap3A_17] : memref<1024x128xbf16, #tpu.memory_space<vmem>>, vector<1024x64xbf16>
    tpu.vector_store %arg5[%swap3A, %swap3A_17], %convert_element_type3A_16 {strides = array<i32>} : memref<1024x128xbf16, #tpu.memory_space<vmem>>, vector<1024x64xbf16>,
    %get3A_19 = arith.constant 0 : index
    %get3A_20 = arith.constant 64 : index
    %get3A_21 = vector.load %arg2[%get3A_19, %get3A_20] : memref<1024x128xbf16, #tpu.memory_space<vmem>>, vector<1024x64xbf16>
    %get3A_22 = arith.constant 0 : index
    %get3A_23 = arith.constant 64 : index
    %get3A_24 = vector.load %arg3[%get3A_22, %get3A_23] : memref<2048x128xbf16, #tpu.memory_space<vmem>>, vector<2048x64xbf16>
    %dot_general3A_25 = arith.constant dense<0.000000e+00> : vector<1024x2048xf32>
    %dot_general3A_26 = tpu.matmul %get3A_21, %get3A_24, %dot_general3A_25 {dimension_numbers = #tpu.dot_dimension_numbers<[1], [1], [0], [0], [0, 0, 1, 0], [], []>, transpose_lhs_hint = false} : vector<1024x64xbf16>, vector<2048x64xbf16>, vector<1024x2048xf32> -> vector<1024x2048xf32>
    %convert_element_type3A_27 = arith.truncf %dot_general3A_26 : vector<1024x2048xf32> to vector<1024x2048xbf16>
    %exp3A_28 = math.exp %convert_element_type3A_27 : vector<1024x2048xbf16>
    %convert_element_type3A_29 = arith.extf %exp3A_28 : vector<1024x2048xbf16> to vector<1024x2048xf32>
    %reduce_sum3A_30 = arith.constant dense<0.000000e+00> : vector<1024xf32>
    %reduce_sum3A_31 = vector.multi_reduction <add>, %convert_element_type3A_29, %reduce_sum3A_30 [1] : vector<1024x2048xf32> to vector<1024xf32>
    %broadcast_in_dim3A_32 = vector.shape_cast %reduce_sum3A_31 : vector<1024xf32> to vector<1024x1xf32>
    %get3A_33 = arith.constant 0 : index
    %get3A_34 = arith.constant 64 : index
    %get3A_35 = vector.load %arg4[%get3A_33, %get3A_34] : memref<2048x128xbf16, #tpu.memory_space<vmem>>, vector<2048x64xbf16>
    %dot_general3A_36 = arith.constant dense<0.000000e+00> : vector<1024x64xf32>
    %dot_general3A_37 = tpu.matmul %exp3A_28, %get3A_35, %dot_general3A_36 {dimension_numbers = #tpu.dot_dimension_numbers<[1], [0], [0], [1], [0, 0, 1, 1], [], []>, transpose_lhs_hint = false} : vector<1024x2048xbf16>, vector<2048x64xbf16>, vector<1024x64xf32> -> vector<1024x64xf32>
    %div3A_38 = arith.constant 1.000000e+00 : f32
    %div3A_39 = vector.broadcast %div3A_38 : f32 to vector<1024x1xf32>
    %div3A_40 = arith.divf %div3A_39, %broadcast_in_dim3A_32 : vector<1024x1xf32>
    %mul3A_41 = vector.broadcast %div3A_40 : vector<1024x1xf32> to vector<1024x64xf32>
    %mul3A_42 = arith.mulf %dot_general3A_37, %mul3A_41 : vector<1024x64xf32>
    %convert_element_type3A_43 = arith.truncf %mul3A_42 : vector<1024x64xf32> to vector<1024x64xbf16>
    %swap3A_44 = arith.constant 0 : index
    %swap3A_45 = arith.constant 64 : index
    %swap3A_46 = vector.load %arg5[%swap3A_44, %swap3A_45] : memref<1024x128xbf16, #tpu.memory_space<vmem>>, vector<1024x64xbf16>
    tpu.vector_store %arg5[%swap3A_44, %swap3A_45], %convert_element_type3A_43 {strides = array<i32>} : memref<1024x128xbf16, #tpu.memory_space<vmem>>, vector<1024x64xbf16>,
    return
  }
  func.func @transform_0(%arg0: i32, %arg1: i32) -> (i32, i32) {
    %c0_i32 = arith.constant 0 : i32
    return %arg1, %arg0 : i32, i32
  }
  func.func @transform_1(%arg0: i32, %arg1: i32) -> (i32, i32) {
    %c0_i32 = arith.constant 0 : i32
    %c0_i32_0 = arith.constant 0 : i32
    return %c0_i32, %arg0 : i32, i32
  }
  func.func @transform_2(%arg0: i32, %arg1: i32) -> (i32, i32) {
    %c0_i32 = arith.constant 0 : i32
    %c0_i32_0 = arith.constant 0 : i32
    return %c0_i32, %arg0 : i32, i32
  }
  func.func @transform_3(%arg0: i32, %arg1: i32) -> (i32, i32) {
    %c0_i32 = arith.constant 0 : i32
    return %arg1, %arg0 : i32, i32
  }
}

module attributes {stable_mosaic.version = 14 : i64} {
  func.func @_post_router_body(%arg0: i32, %arg1: memref<2048x768xbf16, #tpu.memory_space<vmem>>, %arg2: memref<2048x768xf32, #tpu.memory_space<vmem>>, %arg3: memref<768x768xf32, #tpu.memory_space<vmem>>, %arg4: memref<1x768xf32, #tpu.memory_space<vmem>>, %arg5: memref<1x768xf32, #tpu.memory_space<vmem>>, %arg6: memref<1x768xf32, #tpu.memory_space<vmem>>, %arg7: memref<768x8xf32, #tpu.memory_space<vmem>>, %arg8: memref<2048x768xf32, #tpu.memory_space<vmem>>, %arg9: memref<2048x2xi32, #tpu.memory_space<vmem>>, %arg10: memref<2048x2xf32, #tpu.memory_space<vmem>>, %arg11: memref<2048x2xf32, #tpu.memory_space<vmem>>, %arg12: memref<1x1xf32, #tpu.memory_space<vmem>>) attributes {dimension_semantics = [#tpu.dimension_semantics<arbitrary>], iteration_bounds = array<i64: 1>, scalar_prefetch = 0 : i64, scratch_operands = 0 : i64, tpu.core_type = #tpu.core_type<tc>, window_params = [{pipeline_mode = #tpu.pipeline_mode<synchronous>, transform_indices = @transform_0, window_bounds = array<i64: 2048, 768>}, {pipeline_mode = #tpu.pipeline_mode<synchronous>, transform_indices = @transform_1, window_bounds = array<i64: 2048, 768>}, {pipeline_mode = #tpu.pipeline_mode<synchronous>, transform_indices = @transform_2, window_bounds = array<i64: 768, 768>}, {pipeline_mode = #tpu.pipeline_mode<synchronous>, transform_indices = @transform_3, window_bounds = array<i64: 1, 768>}, {pipeline_mode = #tpu.pipeline_mode<synchronous>, transform_indices = @transform_4, window_bounds = array<i64: 1, 768>}, {pipeline_mode = #tpu.pipeline_mode<synchronous>, transform_indices = @transform_5, window_bounds = array<i64: 1, 768>}, {pipeline_mode = #tpu.pipeline_mode<synchronous>, transform_indices = @transform_6, window_bounds = array<i64: 768, 8>}, {pipeline_mode = #tpu.pipeline_mode<synchronous>, transform_indices = @transform_7, window_bounds = array<i64: 2048, 768>}, {pipeline_mode = #tpu.pipeline_mode<synchronous>, transform_indices = @transform_8, window_bounds = array<i64: 2048, 2>}, {pipeline_mode = #tpu.pipeline_mode<synchronous>, transform_indices = @transform_9, window_bounds = array<i64: 2048, 2>}, {pipeline_mode = #tpu.pipeline_mode<synchronous>, transform_indices = @transform_10, window_bounds = array<i64: 2048, 2>}, {pipeline_mode = #tpu.pipeline_mode<synchronous>, transform_indices = @transform_11, window_bounds = array<i64: 1, 1>}]} {
    %get3A = arith.constant 0 : index
    %get3A_0 = arith.constant 0 : index
    %get3A_1 = vector.load %arg1[%get3A, %get3A_0] : memref<2048x768xbf16, #tpu.memory_space<vmem>>, vector<2048x768xbf16>
    %get3A_2 = arith.constant 0 : index
    %get3A_3 = arith.constant 0 : index
    %get3A_4 = vector.load %arg3[%get3A_2, %get3A_3] : memref<768x768xf32, #tpu.memory_space<vmem>>, vector<768x768xf32>
    %convert_element_type3A = arith.truncf %get3A_4 : vector<768x768xf32> to vector<768x768xbf16>
    %dot_general3A = arith.constant dense<0.000000e+00> : vector<2048x768xf32>
    %dot_general3A_5 = tpu.matmul %get3A_1, %convert_element_type3A, %dot_general3A {dimension_numbers = #tpu.dot_dimension_numbers<[1], [0], [0], [1], [0, 0, 1, 1], [], []>, transpose_lhs_hint = false} : vector<2048x768xbf16>, vector<768x768xbf16>, vector<2048x768xf32> -> vector<2048x768xf32>
    %get3A_6 = arith.constant 0 : index
    %get3A_7 = arith.constant 0 : index
    %get3A_8 = vector.load %arg4[%get3A_6, %get3A_7] : memref<1x768xf32, #tpu.memory_space<vmem>>, vector<1x768xf32>
    %add3A = vector.broadcast %get3A_8 : vector<1x768xf32> to vector<2048x768xf32>
    %add3A_9 = arith.addf %dot_general3A_5, %add3A : vector<2048x768xf32>
    %get3A_10 = arith.constant 0 : index
    %get3A_11 = arith.constant 0 : index
    %get3A_12 = vector.load %arg2[%get3A_10, %get3A_11] : memref<2048x768xf32, #tpu.memory_space<vmem>>, vector<2048x768xf32>
    %add3A_13 = arith.addf %add3A_9, %get3A_12 : vector<2048x768xf32>
    %reduce_sum3A = arith.constant dense<0.000000e+00> : vector<2048xf32>
    %reduce_sum3A_14 = vector.multi_reduction <add>, %add3A_13, %reduce_sum3A [1] : vector<2048x768xf32> to vector<2048xf32>
    %broadcast_in_dim3A = vector.shape_cast %reduce_sum3A_14 : vector<2048xf32> to vector<2048x1xf32>
    %div3A = arith.constant 7.680000e+02 : f32
    %div3A_15 = vector.broadcast %div3A : f32 to vector<2048x1xf32>
    %div3A_16 = arith.divf %broadcast_in_dim3A, %div3A_15 : vector<2048x1xf32>
    %sub3A = vector.broadcast %div3A_16 : vector<2048x1xf32> to vector<2048x768xf32>
    %sub3A_17 = arith.subf %add3A_13, %sub3A : vector<2048x768xf32>
    %integer_pow3A = arith.mulf %sub3A_17, %sub3A_17 : vector<2048x768xf32>
    %reduce_sum3A_18 = arith.constant dense<0.000000e+00> : vector<2048xf32>
    %reduce_sum3A_19 = vector.multi_reduction <add>, %integer_pow3A, %reduce_sum3A_18 [1] : vector<2048x768xf32> to vector<2048xf32>
    %broadcast_in_dim3A_20 = vector.shape_cast %reduce_sum3A_19 : vector<2048xf32> to vector<2048x1xf32>
    %div3A_21 = arith.constant 7.680000e+02 : f32
    %div3A_22 = vector.broadcast %div3A_21 : f32 to vector<2048x1xf32>
    %div3A_23 = arith.divf %broadcast_in_dim3A_20, %div3A_22 : vector<2048x1xf32>
    %sub3A_24 = vector.broadcast %div3A_16 : vector<2048x1xf32> to vector<2048x768xf32>
    %sub3A_25 = arith.subf %add3A_13, %sub3A_24 : vector<2048x768xf32>
    %add3A_26 = arith.constant 9.99999974E-6 : f32
    %add3A_27 = vector.broadcast %add3A_26 : f32 to vector<2048x1xf32>
    %add3A_28 = arith.addf %div3A_23, %add3A_27 : vector<2048x1xf32>
    %sqrt3A = math.sqrt %add3A_28 : vector<2048x1xf32>
    %div3A_29 = vector.broadcast %sqrt3A : vector<2048x1xf32> to vector<2048x768xf32>
    %div3A_30 = arith.divf %sub3A_25, %div3A_29 : vector<2048x768xf32>
    %get3A_31 = arith.constant 0 : index
    %get3A_32 = arith.constant 0 : index
    %get3A_33 = vector.load %arg5[%get3A_31, %get3A_32] : memref<1x768xf32, #tpu.memory_space<vmem>>, vector<1x768xf32>
    %mul3A = vector.broadcast %get3A_33 : vector<1x768xf32> to vector<2048x768xf32>
    %mul3A_34 = arith.mulf %div3A_30, %mul3A : vector<2048x768xf32>
    %get3A_35 = arith.constant 0 : index
    %get3A_36 = arith.constant 0 : index
    %get3A_37 = vector.load %arg6[%get3A_35, %get3A_36] : memref<1x768xf32, #tpu.memory_space<vmem>>, vector<1x768xf32>
    %add3A_38 = vector.broadcast %get3A_37 : vector<1x768xf32> to vector<2048x768xf32>
    %add3A_39 = arith.addf %mul3A_34, %add3A_38 : vector<2048x768xf32>
    %swap3A = arith.constant 0 : index
    %swap3A_40 = arith.constant 0 : index
    %swap3A_41 = vector.load %arg8[%swap3A, %swap3A_40] : memref<2048x768xf32, #tpu.memory_space<vmem>>, vector<2048x768xf32>
    tpu.vector_store %arg8[%swap3A, %swap3A_40], %add3A_39 {strides = array<i32>} : memref<2048x768xf32, #tpu.memory_space<vmem>>, vector<2048x768xf32>,
    %get3A_42 = arith.constant 0 : index
    %get3A_43 = arith.constant 0 : index
    %get3A_44 = vector.load %arg7[%get3A_42, %get3A_43] : memref<768x8xf32, #tpu.memory_space<vmem>>, vector<768x8xf32>
    %broadcast_in_dim3A_45 = arith.constant 0.000000e+00 : f32
    %broadcast_in_dim3A_46 = vector.broadcast %broadcast_in_dim3A_45 : f32 to vector<768x120xf32>
    %concatenate3A = tpu.concatenate %get3A_44, %broadcast_in_dim3A_46 in 1 : vector<768x8xf32>, vector<768x120xf32> -> vector<768x128xf32>
    %dot_general3A_47 = arith.constant dense<0.000000e+00> : vector<2048x128xf32>
    %dot_general3A_48 = tpu.matmul %add3A_39, %concatenate3A, %dot_general3A_47 {dimension_numbers = #tpu.dot_dimension_numbers<[1], [0], [0], [1], [0, 0, 1, 1], [], []>, transpose_lhs_hint = false} : vector<2048x768xf32>, vector<768x128xf32>, vector<2048x128xf32> -> vector<2048x128xf32>
    %iota3A = tpu.iota {dimensions = array<i32: 1>} : vector<2048x128xi32>
    %lt3A = arith.constant 8 : i32
    %lt3A_49 = vector.broadcast %lt3A : i32 to vector<2048x128xi32>
    %lt3A_50 = arith.cmpi slt, %iota3A, %lt3A_49 : vector<2048x128xi32>
    %jit3A = arith.constant -1.000000e+30 : f32
    %broadcast_in_dim3A_51 = vector.broadcast %jit3A : f32 to vector<2048x128xf32>
    %select_n3A = arith.select %lt3A_50, %dot_general3A_48, %broadcast_in_dim3A_51 : vector<2048x128xi1>, vector<2048x128xf32>
    %reduce_max3A = arith.constant dense<0xFF800000> : vector<2048xf32>
    %reduce_max3A_52 = vector.multi_reduction <maximumf>, %select_n3A, %reduce_max3A [1] : vector<2048x128xf32> to vector<2048xf32>
    %broadcast_in_dim3A_53 = vector.shape_cast %reduce_max3A_52 : vector<2048xf32> to vector<2048x1xf32>
    %sub3A_54 = vector.broadcast %broadcast_in_dim3A_53 : vector<2048x1xf32> to vector<2048x128xf32>
    %sub3A_55 = arith.subf %select_n3A, %sub3A_54 : vector<2048x128xf32>
    %exp3A = math.exp %sub3A_55 : vector<2048x128xf32>
    %reduce_sum3A_56 = arith.constant dense<0.000000e+00> : vector<2048xf32>
    %reduce_sum3A_57 = vector.multi_reduction <add>, %exp3A, %reduce_sum3A_56 [1] : vector<2048x128xf32> to vector<2048xf32>
    %broadcast_in_dim3A_58 = vector.shape_cast %reduce_sum3A_57 : vector<2048xf32> to vector<2048x1xf32>
    %div3A_59 = vector.broadcast %broadcast_in_dim3A_58 : vector<2048x1xf32> to vector<2048x128xf32>
    %div3A_60 = arith.divf %exp3A, %div3A_59 : vector<2048x128xf32>
    %log3A = math.log %broadcast_in_dim3A_58 : vector<2048x1xf32>
    %add3A_61 = arith.addf %broadcast_in_dim3A_53, %log3A : vector<2048x1xf32>
    %reduce_max3A_62 = arith.constant dense<0xFF800000> : vector<2048xf32>
    %reduce_max3A_63 = vector.multi_reduction <maximumf>, %div3A_60, %reduce_max3A_62 [1] : vector<2048x128xf32> to vector<2048xf32>
    %broadcast_in_dim3A_64 = vector.shape_cast %reduce_max3A_63 : vector<2048xf32> to vector<2048x1xf32>
    %eq3A = vector.broadcast %broadcast_in_dim3A_64 : vector<2048x1xf32> to vector<2048x128xf32>
    %eq3A_65 = arith.cmpf oeq, %div3A_60, %eq3A : vector<2048x128xf32>
    %jit3A_66 = arith.constant 128 : i32
    %broadcast_in_dim3A_67 = vector.broadcast %jit3A_66 : i32 to vector<2048x128xi32>
    %select_n3A_68 = arith.select %eq3A_65, %iota3A, %broadcast_in_dim3A_67 : vector<2048x128xi1>, vector<2048x128xi32>
    %reduce_min3A = arith.constant dense<2147483647> : vector<2048xi32>
    %reduce_min3A_69 = vector.multi_reduction <minsi>, %select_n3A_68, %reduce_min3A [1] : vector<2048x128xi32> to vector<2048xi32>
    %broadcast_in_dim3A_70 = vector.shape_cast %reduce_min3A_69 : vector<2048xi32> to vector<2048x1xi32>
    %eq3A_71 = vector.broadcast %broadcast_in_dim3A_70 : vector<2048x1xi32> to vector<2048x128xi32>
    %eq3A_72 = arith.cmpi eq, %iota3A, %eq3A_71 : vector<2048x128xi32>
    %convert_element_type3A_73 = arith.extui %eq3A_72 : vector<2048x128xi1> to vector<2048x128xi32>
    %convert_element_type3A_74 = arith.sitofp %convert_element_type3A_73 : vector<2048x128xi32> to vector<2048x128xf32>
    %eq3A_75 = vector.broadcast %broadcast_in_dim3A_70 : vector<2048x1xi32> to vector<2048x128xi32>
    %eq3A_76 = arith.cmpi eq, %iota3A, %eq3A_75 : vector<2048x128xi32>
    %jit3A_77 = arith.constant -1.000000e+00 : f32
    %broadcast_in_dim3A_78 = vector.broadcast %jit3A_77 : f32 to vector<2048x128xf32>
    %select_n3A_79 = arith.select %eq3A_76, %broadcast_in_dim3A_78, %div3A_60 : vector<2048x128xi1>, vector<2048x128xf32>
    %reduce_max3A_80 = arith.constant dense<0xFF800000> : vector<2048xf32>
    %reduce_max3A_81 = vector.multi_reduction <maximumf>, %select_n3A_79, %reduce_max3A_80 [1] : vector<2048x128xf32> to vector<2048xf32>
    %broadcast_in_dim3A_82 = vector.shape_cast %reduce_max3A_81 : vector<2048xf32> to vector<2048x1xf32>
    %eq3A_83 = vector.broadcast %broadcast_in_dim3A_82 : vector<2048x1xf32> to vector<2048x128xf32>
    %eq3A_84 = arith.cmpf oeq, %select_n3A_79, %eq3A_83 : vector<2048x128xf32>
    %jit3A_85 = arith.constant 128 : i32
    %broadcast_in_dim3A_86 = vector.broadcast %jit3A_85 : i32 to vector<2048x128xi32>
    %select_n3A_87 = arith.select %eq3A_84, %iota3A, %broadcast_in_dim3A_86 : vector<2048x128xi1>, vector<2048x128xi32>
    %reduce_min3A_88 = arith.constant dense<2147483647> : vector<2048xi32>
    %reduce_min3A_89 = vector.multi_reduction <minsi>, %select_n3A_87, %reduce_min3A_88 [1] : vector<2048x128xi32> to vector<2048xi32>
    %broadcast_in_dim3A_90 = vector.shape_cast %reduce_min3A_89 : vector<2048xi32> to vector<2048x1xi32>
    %eq3A_91 = vector.broadcast %broadcast_in_dim3A_90 : vector<2048x1xi32> to vector<2048x128xi32>
    %eq3A_92 = arith.cmpi eq, %iota3A, %eq3A_91 : vector<2048x128xi32>
    %convert_element_type3A_93 = arith.extui %eq3A_92 : vector<2048x128xi1> to vector<2048x128xi32>
    %convert_element_type3A_94 = arith.sitofp %convert_element_type3A_93 : vector<2048x128xi32> to vector<2048x128xf32>
    %add3A_95 = arith.addf %broadcast_in_dim3A_64, %broadcast_in_dim3A_82 : vector<2048x1xf32>
    %div3A_96 = arith.divf %broadcast_in_dim3A_64, %add3A_95 : vector<2048x1xf32>
    %div3A_97 = arith.divf %broadcast_in_dim3A_82, %add3A_95 : vector<2048x1xf32>
    %add3A_98 = arith.addf %convert_element_type3A_74, %convert_element_type3A_94 : vector<2048x128xf32>
    %broadcast_in_dim3A_99 = arith.constant 0.000000e+00 : f32
    %broadcast_in_dim3A_100 = vector.broadcast %broadcast_in_dim3A_99 : f32 to vector<1x128xf32>
    %slice3A = vector.extract_strided_slice %add3A_98 {offsets = [0, 0], sizes = [2047, 128], strides = [1, 1]} : vector<2048x128xf32> to vector<2047x128xf32>
    %concatenate3A_101 = tpu.concatenate %broadcast_in_dim3A_100, %slice3A in 0 : vector<1x128xf32>, vector<2047x128xf32> -> vector<2048x128xf32>
    %add3A_102 = arith.addf %add3A_98, %concatenate3A_101 : vector<2048x128xf32>
    %broadcast_in_dim3A_103 = arith.constant 0.000000e+00 : f32
    %broadcast_in_dim3A_104 = vector.broadcast %broadcast_in_dim3A_103 : f32 to vector<2x128xf32>
    %slice3A_105 = vector.extract_strided_slice %add3A_102 {offsets = [0, 0], sizes = [2046, 128], strides = [1, 1]} : vector<2048x128xf32> to vector<2046x128xf32>
    %concatenate3A_106 = tpu.concatenate %broadcast_in_dim3A_104, %slice3A_105 in 0 : vector<2x128xf32>, vector<2046x128xf32> -> vector<2048x128xf32>
    %add3A_107 = arith.addf %add3A_102, %concatenate3A_106 : vector<2048x128xf32>
    %broadcast_in_dim3A_108 = arith.constant 0.000000e+00 : f32
    %broadcast_in_dim3A_109 = vector.broadcast %broadcast_in_dim3A_108 : f32 to vector<4x128xf32>
    %slice3A_110 = vector.extract_strided_slice %add3A_107 {offsets = [0, 0], sizes = [2044, 128], strides = [1, 1]} : vector<2048x128xf32> to vector<2044x128xf32>
    %concatenate3A_111 = tpu.concatenate %broadcast_in_dim3A_109, %slice3A_110 in 0 : vector<4x128xf32>, vector<2044x128xf32> -> vector<2048x128xf32>
    %add3A_112 = arith.addf %add3A_107, %concatenate3A_111 : vector<2048x128xf32>
    %broadcast_in_dim3A_113 = arith.constant 0.000000e+00 : f32
    %broadcast_in_dim3A_114 = vector.broadcast %broadcast_in_dim3A_113 : f32 to vector<8x128xf32>
    %slice3A_115 = vector.extract_strided_slice %add3A_112 {offsets = [0, 0], sizes = [2040, 128], strides = [1, 1]} : vector<2048x128xf32> to vector<2040x128xf32>
    %concatenate3A_116 = tpu.concatenate %broadcast_in_dim3A_114, %slice3A_115 in 0 : vector<8x128xf32>, vector<2040x128xf32> -> vector<2048x128xf32>
    %add3A_117 = arith.addf %add3A_112, %concatenate3A_116 : vector<2048x128xf32>
    %broadcast_in_dim3A_118 = arith.constant 0.000000e+00 : f32
    %broadcast_in_dim3A_119 = vector.broadcast %broadcast_in_dim3A_118 : f32 to vector<16x128xf32>
    %slice3A_120 = vector.extract_strided_slice %add3A_117 {offsets = [0, 0], sizes = [2032, 128], strides = [1, 1]} : vector<2048x128xf32> to vector<2032x128xf32>
    %concatenate3A_121 = tpu.concatenate %broadcast_in_dim3A_119, %slice3A_120 in 0 : vector<16x128xf32>, vector<2032x128xf32> -> vector<2048x128xf32>
    %add3A_122 = arith.addf %add3A_117, %concatenate3A_121 : vector<2048x128xf32>
    %broadcast_in_dim3A_123 = arith.constant 0.000000e+00 : f32
    %broadcast_in_dim3A_124 = vector.broadcast %broadcast_in_dim3A_123 : f32 to vector<32x128xf32>
    %slice3A_125 = vector.extract_strided_slice %add3A_122 {offsets = [0, 0], sizes = [2016, 128], strides = [1, 1]} : vector<2048x128xf32> to vector<2016x128xf32>
    %concatenate3A_126 = tpu.concatenate %broadcast_in_dim3A_124, %slice3A_125 in 0 : vector<32x128xf32>, vector<2016x128xf32> -> vector<2048x128xf32>
    %add3A_127 = arith.addf %add3A_122, %concatenate3A_126 : vector<2048x128xf32>
    %broadcast_in_dim3A_128 = arith.constant 0.000000e+00 : f32
    %broadcast_in_dim3A_129 = vector.broadcast %broadcast_in_dim3A_128 : f32 to vector<64x128xf32>
    %slice3A_130 = vector.extract_strided_slice %add3A_127 {offsets = [0, 0], sizes = [1984, 128], strides = [1, 1]} : vector<2048x128xf32> to vector<1984x128xf32>
    %concatenate3A_131 = tpu.concatenate %broadcast_in_dim3A_129, %slice3A_130 in 0 : vector<64x128xf32>, vector<1984x128xf32> -> vector<2048x128xf32>
    %add3A_132 = arith.addf %add3A_127, %concatenate3A_131 : vector<2048x128xf32>
    %broadcast_in_dim3A_133 = arith.constant 0.000000e+00 : f32
    %broadcast_in_dim3A_134 = vector.broadcast %broadcast_in_dim3A_133 : f32 to vector<128x128xf32>
    %slice3A_135 = vector.extract_strided_slice %add3A_132 {offsets = [0, 0], sizes = [1920, 128], strides = [1, 1]} : vector<2048x128xf32> to vector<1920x128xf32>
    %concatenate3A_136 = tpu.concatenate %broadcast_in_dim3A_134, %slice3A_135 in 0 : vector<128x128xf32>, vector<1920x128xf32> -> vector<2048x128xf32>
    %add3A_137 = arith.addf %add3A_132, %concatenate3A_136 : vector<2048x128xf32>
    %broadcast_in_dim3A_138 = arith.constant 0.000000e+00 : f32
    %broadcast_in_dim3A_139 = vector.broadcast %broadcast_in_dim3A_138 : f32 to vector<256x128xf32>
    %slice3A_140 = vector.extract_strided_slice %add3A_137 {offsets = [0, 0], sizes = [1792, 128], strides = [1, 1]} : vector<2048x128xf32> to vector<1792x128xf32>
    %concatenate3A_141 = tpu.concatenate %broadcast_in_dim3A_139, %slice3A_140 in 0 : vector<256x128xf32>, vector<1792x128xf32> -> vector<2048x128xf32>
    %add3A_142 = arith.addf %add3A_137, %concatenate3A_141 : vector<2048x128xf32>
    %broadcast_in_dim3A_143 = arith.constant 0.000000e+00 : f32
    %broadcast_in_dim3A_144 = vector.broadcast %broadcast_in_dim3A_143 : f32 to vector<512x128xf32>
    %slice3A_145 = vector.extract_strided_slice %add3A_142 {offsets = [0, 0], sizes = [1536, 128], strides = [1, 1]} : vector<2048x128xf32> to vector<1536x128xf32>
    %concatenate3A_146 = tpu.concatenate %broadcast_in_dim3A_144, %slice3A_145 in 0 : vector<512x128xf32>, vector<1536x128xf32> -> vector<2048x128xf32>
    %add3A_147 = arith.addf %add3A_142, %concatenate3A_146 : vector<2048x128xf32>
    %broadcast_in_dim3A_148 = arith.constant 0.000000e+00 : f32
    %broadcast_in_dim3A_149 = vector.broadcast %broadcast_in_dim3A_148 : f32 to vector<1024x128xf32>
    %slice3A_150 = vector.extract_strided_slice %add3A_147 {offsets = [0, 0], sizes = [1024, 128], strides = [1, 1]} : vector<2048x128xf32> to vector<1024x128xf32>
    %concatenate3A_151 = tpu.concatenate %broadcast_in_dim3A_149, %slice3A_150 in 0 : vector<1024x128xf32>, vector<1024x128xf32> -> vector<2048x128xf32>
    %add3A_152 = arith.addf %add3A_147, %concatenate3A_151 : vector<2048x128xf32>
    %sub3A_153 = arith.subf %add3A_152, %add3A_98 : vector<2048x128xf32>
    %mul3A_154 = arith.mulf %sub3A_153, %convert_element_type3A_74 : vector<2048x128xf32>
    %reduce_sum3A_155 = arith.constant dense<0.000000e+00> : vector<2048xf32>
    %reduce_sum3A_156 = vector.multi_reduction <add>, %mul3A_154, %reduce_sum3A_155 [1] : vector<2048x128xf32> to vector<2048xf32>
    %broadcast_in_dim3A_157 = vector.shape_cast %reduce_sum3A_156 : vector<2048xf32> to vector<2048x1xf32>
    %mul3A_158 = arith.mulf %sub3A_153, %convert_element_type3A_94 : vector<2048x128xf32>
    %reduce_sum3A_159 = arith.constant dense<0.000000e+00> : vector<2048xf32>
    %reduce_sum3A_160 = vector.multi_reduction <add>, %mul3A_158, %reduce_sum3A_159 [1] : vector<2048x128xf32> to vector<2048xf32>
    %broadcast_in_dim3A_161 = vector.shape_cast %reduce_sum3A_160 : vector<2048xf32> to vector<2048x1xf32>
    %lt3A_162 = arith.constant 6.400000e+02 : f32
    %lt3A_163 = vector.broadcast %lt3A_162 : f32 to vector<2048x1xf32>
    %lt3A_164 = arith.cmpf olt, %broadcast_in_dim3A_157, %lt3A_163 : vector<2048x1xf32>
    %lt3A_165 = arith.constant 6.400000e+02 : f32
    %lt3A_166 = vector.broadcast %lt3A_165 : f32 to vector<2048x1xf32>
    %lt3A_167 = arith.cmpf olt, %broadcast_in_dim3A_161, %lt3A_166 : vector<2048x1xf32>
    %min3A = arith.constant 6.400000e+02 : f32
    %min3A_168 = vector.broadcast %min3A : f32 to vector<2048x1xf32>
    %min3A_169 = arith.minimumf %broadcast_in_dim3A_157, %min3A_168 : vector<2048x1xf32>
    %convert_element_type3A_170 = arith.fptosi %min3A_169 : vector<2048x1xf32> to vector<2048x1xi32>
    %min3A_171 = arith.constant 6.400000e+02 : f32
    %min3A_172 = vector.broadcast %min3A_171 : f32 to vector<2048x1xf32>
    %min3A_173 = arith.minimumf %broadcast_in_dim3A_161, %min3A_172 : vector<2048x1xf32>
    %convert_element_type3A_174 = arith.fptosi %min3A_173 : vector<2048x1xf32> to vector<2048x1xi32>
    %mul3A_175 = arith.constant 641 : i32
    %mul3A_176 = vector.broadcast %mul3A_175 : i32 to vector<2048x1xi32>
    %mul3A_177 = arith.muli %broadcast_in_dim3A_70, %mul3A_176 : vector<2048x1xi32>
    %add3A_178 = arith.addi %mul3A_177, %convert_element_type3A_170 : vector<2048x1xi32>
    %swap3A_179 = arith.constant 0 : index
    %swap3A_180 = arith.constant 0 : index
    %swap3A_181 = vector.load %arg9[%swap3A_179, %swap3A_180] : memref<2048x2xi32, #tpu.memory_space<vmem>>, vector<2048x1xi32>
    tpu.vector_store %arg9[%swap3A_179, %swap3A_180], %add3A_178 {strides = array<i32>} : memref<2048x2xi32, #tpu.memory_space<vmem>>, vector<2048x1xi32>,
    %mul3A_182 = arith.constant 641 : i32
    %mul3A_183 = vector.broadcast %mul3A_182 : i32 to vector<2048x1xi32>
    %mul3A_184 = arith.muli %broadcast_in_dim3A_90, %mul3A_183 : vector<2048x1xi32>
    %add3A_185 = arith.addi %mul3A_184, %convert_element_type3A_174 : vector<2048x1xi32>
    %swap3A_186 = arith.constant 0 : index
    %swap3A_187 = arith.constant 1 : index
    %swap3A_188 = vector.load %arg9[%swap3A_186, %swap3A_187] : memref<2048x2xi32, #tpu.memory_space<vmem>>, vector<2048x1xi32>
    tpu.vector_store %arg9[%swap3A_186, %swap3A_187], %add3A_185 {strides = array<i32>} : memref<2048x2xi32, #tpu.memory_space<vmem>>, vector<2048x1xi32>,
    %jit3A_189 = arith.constant 0.000000e+00 : f32
    %broadcast_in_dim3A_190 = vector.broadcast %jit3A_189 : f32 to vector<2048x1xf32>
    %select_n3A_191 = arith.select %lt3A_164, %div3A_96, %broadcast_in_dim3A_190 : vector<2048x1xi1>, vector<2048x1xf32>
    %swap3A_192 = arith.constant 0 : index
    %swap3A_193 = arith.constant 0 : index
    %swap3A_194 = vector.load %arg10[%swap3A_192, %swap3A_193] : memref<2048x2xf32, #tpu.memory_space<vmem>>, vector<2048x1xf32>
    tpu.vector_store %arg10[%swap3A_192, %swap3A_193], %select_n3A_191 {strides = array<i32>} : memref<2048x2xf32, #tpu.memory_space<vmem>>, vector<2048x1xf32>,
    %jit3A_195 = arith.constant 0.000000e+00 : f32
    %broadcast_in_dim3A_196 = vector.broadcast %jit3A_195 : f32 to vector<2048x1xf32>
    %select_n3A_197 = arith.select %lt3A_167, %div3A_97, %broadcast_in_dim3A_196 : vector<2048x1xi1>, vector<2048x1xf32>
    %swap3A_198 = arith.constant 0 : index
    %swap3A_199 = arith.constant 1 : index
    %swap3A_200 = vector.load %arg10[%swap3A_198, %swap3A_199] : memref<2048x2xf32, #tpu.memory_space<vmem>>, vector<2048x1xf32>
    tpu.vector_store %arg10[%swap3A_198, %swap3A_199], %select_n3A_197 {strides = array<i32>} : memref<2048x2xf32, #tpu.memory_space<vmem>>, vector<2048x1xf32>,
    %convert_element_type3A_201 = arith.extui %lt3A_164 : vector<2048x1xi1> to vector<2048x1xi32>
    %convert_element_type3A_202 = arith.sitofp %convert_element_type3A_201 : vector<2048x1xi32> to vector<2048x1xf32>
    %swap3A_203 = arith.constant 0 : index
    %swap3A_204 = arith.constant 0 : index
    %swap3A_205 = vector.load %arg11[%swap3A_203, %swap3A_204] : memref<2048x2xf32, #tpu.memory_space<vmem>>, vector<2048x1xf32>
    tpu.vector_store %arg11[%swap3A_203, %swap3A_204], %convert_element_type3A_202 {strides = array<i32>} : memref<2048x2xf32, #tpu.memory_space<vmem>>, vector<2048x1xf32>,
    %convert_element_type3A_206 = arith.extui %lt3A_167 : vector<2048x1xi1> to vector<2048x1xi32>
    %convert_element_type3A_207 = arith.sitofp %convert_element_type3A_206 : vector<2048x1xi32> to vector<2048x1xf32>
    %swap3A_208 = arith.constant 0 : index
    %swap3A_209 = arith.constant 1 : index
    %swap3A_210 = vector.load %arg11[%swap3A_208, %swap3A_209] : memref<2048x2xf32, #tpu.memory_space<vmem>>, vector<2048x1xf32>
    tpu.vector_store %arg11[%swap3A_208, %swap3A_209], %convert_element_type3A_207 {strides = array<i32>} : memref<2048x2xf32, #tpu.memory_space<vmem>>, vector<2048x1xf32>,
    %reduce_sum3A_211 = arith.constant dense<0.000000e+00> : vector<128xf32>
    %reduce_sum3A_212 = vector.multi_reduction <add>, %add3A_98, %reduce_sum3A_211 [0] : vector<2048x128xf32> to vector<128xf32>
    %broadcast_in_dim3A_213 = vector.shape_cast %reduce_sum3A_212 : vector<128xf32> to vector<1x128xf32>
    %reduce_sum3A_214 = arith.constant dense<0.000000e+00> : vector<128xf32>
    %reduce_sum3A_215 = vector.multi_reduction <add>, %div3A_60, %reduce_sum3A_214 [0] : vector<2048x128xf32> to vector<128xf32>
    %broadcast_in_dim3A_216 = vector.shape_cast %reduce_sum3A_215 : vector<128xf32> to vector<1x128xf32>
    %div3A_217 = arith.constant 2.048000e+03 : f32
    %div3A_218 = vector.broadcast %div3A_217 : f32 to vector<1x128xf32>
    %div3A_219 = arith.divf %broadcast_in_dim3A_216, %div3A_218 : vector<1x128xf32>
    %div3A_220 = arith.constant 4.096000e+03 : f32
    %div3A_221 = vector.broadcast %div3A_220 : f32 to vector<1x128xf32>
    %div3A_222 = arith.divf %broadcast_in_dim3A_213, %div3A_221 : vector<1x128xf32>
    %mul3A_223 = arith.mulf %div3A_219, %div3A_222 : vector<1x128xf32>
    %reduce_sum3A_224 = vector.shape_cast %mul3A_223 : vector<1x128xf32> to vector<1x1x128xf32>
    %reduce_sum3A_225 = arith.constant dense<0.000000e+00> : vector<1xf32>
    %reduce_sum3A_226 = vector.multi_reduction <add>, %reduce_sum3A_224, %reduce_sum3A_225 [1, 2] : vector<1x1x128xf32> to vector<1xf32>
    %reduce_sum3A_227 = vector.shape_cast %reduce_sum3A_226 : vector<1xf32> to vector<1x1x1xf32>
    %reduce_sum3A_228 = vector.extract %reduce_sum3A_227[0, 0, 0] : f32 from vector<1x1x1xf32>
    %mul3A_229 = arith.constant 8.000000e+00 : f32
    %mul3A_230 = arith.mulf %mul3A_229, %reduce_sum3A_228 : f32
    %integer_pow3A_231 = arith.mulf %add3A_61, %add3A_61 : vector<2048x1xf32>
    %reduce_sum3A_232 = vector.shape_cast %integer_pow3A_231 : vector<2048x1xf32> to vector<1x2048x1xf32>
    %reduce_sum3A_233 = arith.constant dense<0.000000e+00> : vector<1xf32>
    %reduce_sum3A_234 = vector.multi_reduction <add>, %reduce_sum3A_232, %reduce_sum3A_233 [1, 2] : vector<1x2048x1xf32> to vector<1xf32>
    %reduce_sum3A_235 = vector.shape_cast %reduce_sum3A_234 : vector<1xf32> to vector<1x1x1xf32>
    %reduce_sum3A_236 = vector.extract %reduce_sum3A_235[0, 0, 0] : f32 from vector<1x1x1xf32>
    %div3A_237 = arith.constant 2.048000e+03 : f32
    %div3A_238 = arith.divf %reduce_sum3A_236, %div3A_237 : f32
    %mul3A_239 = arith.constant 0.00999999977 : f32
    %mul3A_240 = arith.mulf %mul3A_239, %mul3A_230 : f32
    %mul3A_241 = arith.constant 1.000000e-03 : f32
    %mul3A_242 = arith.mulf %mul3A_241, %div3A_238 : f32
    %add3A_243 = arith.addf %mul3A_240, %mul3A_242 : f32
    %reshape3A = vector.broadcast %add3A_243 : f32 to vector<1x1xf32>
    %swap3A_244 = arith.constant 0 : index
    %swap3A_245 = arith.constant 0 : index
    %swap3A_246 = vector.load %arg12[%swap3A_244, %swap3A_245] : memref<1x1xf32, #tpu.memory_space<vmem>>, vector<1x1xf32>
    tpu.vector_store %arg12[%swap3A_244, %swap3A_245], %reshape3A {strides = array<i32>} : memref<1x1xf32, #tpu.memory_space<vmem>>, vector<1x1xf32>,
    return
  }
  func.func @transform_0(%arg0: i32) -> (i32, i32) {
    %c0_i32 = arith.constant 0 : i32
    %c0_i32_0 = arith.constant 0 : i32
    %c0_i32_1 = arith.constant 0 : i32
    return %c0_i32, %c0_i32_0 : i32, i32
  }
  func.func @transform_1(%arg0: i32) -> (i32, i32) {
    %c0_i32 = arith.constant 0 : i32
    %c0_i32_0 = arith.constant 0 : i32
    %c0_i32_1 = arith.constant 0 : i32
    return %c0_i32, %c0_i32_0 : i32, i32
  }
  func.func @transform_2(%arg0: i32) -> (i32, i32) {
    %c0_i32 = arith.constant 0 : i32
    %c0_i32_0 = arith.constant 0 : i32
    %c0_i32_1 = arith.constant 0 : i32
    return %c0_i32, %c0_i32_0 : i32, i32
  }
  func.func @transform_3(%arg0: i32) -> (i32, i32) {
    %c0_i32 = arith.constant 0 : i32
    %c0_i32_0 = arith.constant 0 : i32
    %c0_i32_1 = arith.constant 0 : i32
    return %c0_i32, %c0_i32_0 : i32, i32
  }
  func.func @transform_4(%arg0: i32) -> (i32, i32) {
    %c0_i32 = arith.constant 0 : i32
    %c0_i32_0 = arith.constant 0 : i32
    %c0_i32_1 = arith.constant 0 : i32
    return %c0_i32, %c0_i32_0 : i32, i32
  }
  func.func @transform_5(%arg0: i32) -> (i32, i32) {
    %c0_i32 = arith.constant 0 : i32
    %c0_i32_0 = arith.constant 0 : i32
    %c0_i32_1 = arith.constant 0 : i32
    return %c0_i32, %c0_i32_0 : i32, i32
  }
  func.func @transform_6(%arg0: i32) -> (i32, i32) {
    %c0_i32 = arith.constant 0 : i32
    %c0_i32_0 = arith.constant 0 : i32
    %c0_i32_1 = arith.constant 0 : i32
    return %c0_i32, %c0_i32_0 : i32, i32
  }
  func.func @transform_7(%arg0: i32) -> (i32, i32) {
    %c0_i32 = arith.constant 0 : i32
    %c0_i32_0 = arith.constant 0 : i32
    %c0_i32_1 = arith.constant 0 : i32
    return %c0_i32, %c0_i32_0 : i32, i32
  }
  func.func @transform_8(%arg0: i32) -> (i32, i32) {
    %c0_i32 = arith.constant 0 : i32
    %c0_i32_0 = arith.constant 0 : i32
    %c0_i32_1 = arith.constant 0 : i32
    return %c0_i32, %c0_i32_0 : i32, i32
  }
  func.func @transform_9(%arg0: i32) -> (i32, i32) {
    %c0_i32 = arith.constant 0 : i32
    %c0_i32_0 = arith.constant 0 : i32
    %c0_i32_1 = arith.constant 0 : i32
    return %c0_i32, %c0_i32_0 : i32, i32
  }
  func.func @transform_10(%arg0: i32) -> (i32, i32) {
    %c0_i32 = arith.constant 0 : i32
    %c0_i32_0 = arith.constant 0 : i32
    %c0_i32_1 = arith.constant 0 : i32
    return %c0_i32, %c0_i32_0 : i32, i32
  }
  func.func @transform_11(%arg0: i32) -> (i32, i32) {
    %c0_i32 = arith.constant 0 : i32
    %c0_i32_0 = arith.constant 0 : i32
    %c0_i32_1 = arith.constant 0 : i32
    return %c0_i32, %c0_i32_0 : i32, i32
  }
}

module attributes {stable_mosaic.version = 14 : i64} {
  func.func @_qkv_body(%arg0: i32, %arg1: memref<512x768xf32, #tpu.memory_space<vmem>>, %arg2: memref<512x768xf32, #tpu.memory_space<vmem>>, %arg3: memref<768x768xf32, #tpu.memory_space<vmem>>, %arg4: memref<1x768xf32, #tpu.memory_space<vmem>>, %arg5: memref<768x768xf32, #tpu.memory_space<vmem>>, %arg6: memref<1x768xf32, #tpu.memory_space<vmem>>, %arg7: memref<768x768xf32, #tpu.memory_space<vmem>>, %arg8: memref<1x768xf32, #tpu.memory_space<vmem>>, %arg9: memref<512x768xbf16, #tpu.memory_space<vmem>>, %arg10: memref<512x768xbf16, #tpu.memory_space<vmem>>, %arg11: memref<512x768xbf16, #tpu.memory_space<vmem>>) attributes {dimension_semantics = [#tpu.dimension_semantics<arbitrary>], iteration_bounds = array<i64: 4>, scalar_prefetch = 0 : i64, scratch_operands = 0 : i64, tpu.core_type = #tpu.core_type<tc>, window_params = [{transform_indices = @transform_0, window_bounds = array<i64: 512, 768>}, {transform_indices = @transform_1, window_bounds = array<i64: 512, 768>}, {pipeline_mode = #tpu.pipeline_mode<synchronous>, transform_indices = @transform_2, window_bounds = array<i64: 768, 768>}, {pipeline_mode = #tpu.pipeline_mode<synchronous>, transform_indices = @transform_3, window_bounds = array<i64: 1, 768>}, {pipeline_mode = #tpu.pipeline_mode<synchronous>, transform_indices = @transform_4, window_bounds = array<i64: 768, 768>}, {pipeline_mode = #tpu.pipeline_mode<synchronous>, transform_indices = @transform_5, window_bounds = array<i64: 1, 768>}, {pipeline_mode = #tpu.pipeline_mode<synchronous>, transform_indices = @transform_6, window_bounds = array<i64: 768, 768>}, {pipeline_mode = #tpu.pipeline_mode<synchronous>, transform_indices = @transform_7, window_bounds = array<i64: 1, 768>}, {transform_indices = @transform_8, window_bounds = array<i64: 512, 768>}, {transform_indices = @transform_9, window_bounds = array<i64: 512, 768>}, {transform_indices = @transform_10, window_bounds = array<i64: 512, 768>}]} {
    %get3A = arith.constant 0 : index
    %get3A_0 = arith.constant 0 : index
    %get3A_1 = vector.load %arg1[%get3A, %get3A_0] : memref<512x768xf32, #tpu.memory_space<vmem>>, vector<512x768xf32>
    %convert_element_type3A = arith.truncf %get3A_1 : vector<512x768xf32> to vector<512x768xbf16>
    %get3A_2 = arith.constant 0 : index
    %get3A_3 = arith.constant 0 : index
    %get3A_4 = vector.load %arg2[%get3A_2, %get3A_3] : memref<512x768xf32, #tpu.memory_space<vmem>>, vector<512x768xf32>
    %convert_element_type3A_5 = arith.truncf %get3A_4 : vector<512x768xf32> to vector<512x768xbf16>
    %get3A_6 = arith.constant 0 : index
    %get3A_7 = arith.constant 0 : index
    %get3A_8 = vector.load %arg3[%get3A_6, %get3A_7] : memref<768x768xf32, #tpu.memory_space<vmem>>, vector<768x768xf32>
    %convert_element_type3A_9 = arith.truncf %get3A_8 : vector<768x768xf32> to vector<768x768xbf16>
    %dot_general3A = arith.constant dense<0.000000e+00> : vector<512x768xf32>
    %dot_general3A_10 = tpu.matmul %convert_element_type3A, %convert_element_type3A_9, %dot_general3A {dimension_numbers = #tpu.dot_dimension_numbers<[1], [0], [0], [1], [0, 0, 1, 1], [], []>, transpose_lhs_hint = false} : vector<512x768xbf16>, vector<768x768xbf16>, vector<512x768xf32> -> vector<512x768xf32>
    %get3A_11 = arith.constant 0 : index
    %get3A_12 = arith.constant 0 : index
    %get3A_13 = vector.load %arg4[%get3A_11, %get3A_12] : memref<1x768xf32, #tpu.memory_space<vmem>>, vector<1x768xf32>
    %add3A = vector.broadcast %get3A_13 : vector<1x768xf32> to vector<512x768xf32>
    %add3A_14 = arith.addf %dot_general3A_10, %add3A : vector<512x768xf32>
    %mul3A = arith.constant 1.250000e-01 : f32
    %mul3A_15 = vector.broadcast %mul3A : f32 to vector<512x768xf32>
    %mul3A_16 = arith.mulf %add3A_14, %mul3A_15 : vector<512x768xf32>
    %get3A_17 = arith.constant 0 : index
    %get3A_18 = arith.constant 0 : index
    %get3A_19 = vector.load %arg5[%get3A_17, %get3A_18] : memref<768x768xf32, #tpu.memory_space<vmem>>, vector<768x768xf32>
    %convert_element_type3A_20 = arith.truncf %get3A_19 : vector<768x768xf32> to vector<768x768xbf16>
    %dot_general3A_21 = arith.constant dense<0.000000e+00> : vector<512x768xf32>
    %dot_general3A_22 = tpu.matmul %convert_element_type3A_5, %convert_element_type3A_20, %dot_general3A_21 {dimension_numbers = #tpu.dot_dimension_numbers<[1], [0], [0], [1], [0, 0, 1, 1], [], []>, transpose_lhs_hint = false} : vector<512x768xbf16>, vector<768x768xbf16>, vector<512x768xf32> -> vector<512x768xf32>
    %get3A_23 = arith.constant 0 : index
    %get3A_24 = arith.constant 0 : index
    %get3A_25 = vector.load %arg6[%get3A_23, %get3A_24] : memref<1x768xf32, #tpu.memory_space<vmem>>, vector<1x768xf32>
    %add3A_26 = vector.broadcast %get3A_25 : vector<1x768xf32> to vector<512x768xf32>
    %add3A_27 = arith.addf %dot_general3A_22, %add3A_26 : vector<512x768xf32>
    %get3A_28 = arith.constant 0 : index
    %get3A_29 = arith.constant 0 : index
    %get3A_30 = vector.load %arg7[%get3A_28, %get3A_29] : memref<768x768xf32, #tpu.memory_space<vmem>>, vector<768x768xf32>
    %convert_element_type3A_31 = arith.truncf %get3A_30 : vector<768x768xf32> to vector<768x768xbf16>
    %dot_general3A_32 = arith.constant dense<0.000000e+00> : vector<512x768xf32>
    %dot_general3A_33 = tpu.matmul %convert_element_type3A_5, %convert_element_type3A_31, %dot_general3A_32 {dimension_numbers = #tpu.dot_dimension_numbers<[1], [0], [0], [1], [0, 0, 1, 1], [], []>, transpose_lhs_hint = false} : vector<512x768xbf16>, vector<768x768xbf16>, vector<512x768xf32> -> vector<512x768xf32>
    %get3A_34 = arith.constant 0 : index
    %get3A_35 = arith.constant 0 : index
    %get3A_36 = vector.load %arg8[%get3A_34, %get3A_35] : memref<1x768xf32, #tpu.memory_space<vmem>>, vector<1x768xf32>
    %add3A_37 = vector.broadcast %get3A_36 : vector<1x768xf32> to vector<512x768xf32>
    %add3A_38 = arith.addf %dot_general3A_33, %add3A_37 : vector<512x768xf32>
    %convert_element_type3A_39 = arith.truncf %mul3A_16 : vector<512x768xf32> to vector<512x768xbf16>
    %swap3A = arith.constant 0 : index
    %swap3A_40 = arith.constant 0 : index
    %swap3A_41 = vector.load %arg9[%swap3A, %swap3A_40] : memref<512x768xbf16, #tpu.memory_space<vmem>>, vector<512x768xbf16>
    tpu.vector_store %arg9[%swap3A, %swap3A_40], %convert_element_type3A_39 {strides = array<i32>} : memref<512x768xbf16, #tpu.memory_space<vmem>>, vector<512x768xbf16>,
    %convert_element_type3A_42 = arith.truncf %add3A_27 : vector<512x768xf32> to vector<512x768xbf16>
    %swap3A_43 = arith.constant 0 : index
    %swap3A_44 = arith.constant 0 : index
    %swap3A_45 = vector.load %arg10[%swap3A_43, %swap3A_44] : memref<512x768xbf16, #tpu.memory_space<vmem>>, vector<512x768xbf16>
    tpu.vector_store %arg10[%swap3A_43, %swap3A_44], %convert_element_type3A_42 {strides = array<i32>} : memref<512x768xbf16, #tpu.memory_space<vmem>>, vector<512x768xbf16>,
    %convert_element_type3A_46 = arith.truncf %add3A_38 : vector<512x768xf32> to vector<512x768xbf16>
    %swap3A_47 = arith.constant 0 : index
    %swap3A_48 = arith.constant 0 : index
    %swap3A_49 = vector.load %arg11[%swap3A_47, %swap3A_48] : memref<512x768xbf16, #tpu.memory_space<vmem>>, vector<512x768xbf16>
    tpu.vector_store %arg11[%swap3A_47, %swap3A_48], %convert_element_type3A_46 {strides = array<i32>} : memref<512x768xbf16, #tpu.memory_space<vmem>>, vector<512x768xbf16>,
    return
  }
  func.func @transform_0(%arg0: i32) -> (i32, i32) {
    %c0_i32 = arith.constant 0 : i32
    %c0_i32_0 = arith.constant 0 : i32
    return %arg0, %c0_i32 : i32, i32
  }
  func.func @transform_1(%arg0: i32) -> (i32, i32) {
    %c0_i32 = arith.constant 0 : i32
    %c0_i32_0 = arith.constant 0 : i32
    return %arg0, %c0_i32 : i32, i32
  }
  func.func @transform_2(%arg0: i32) -> (i32, i32) {
    %c0_i32 = arith.constant 0 : i32
    %c0_i32_0 = arith.constant 0 : i32
    %c0_i32_1 = arith.constant 0 : i32
    return %c0_i32, %c0_i32_0 : i32, i32
  }
  func.func @transform_3(%arg0: i32) -> (i32, i32) {
    %c0_i32 = arith.constant 0 : i32
    %c0_i32_0 = arith.constant 0 : i32
    %c0_i32_1 = arith.constant 0 : i32
    return %c0_i32, %c0_i32_0 : i32, i32
  }
  func.func @transform_4(%arg0: i32) -> (i32, i32) {
    %c0_i32 = arith.constant 0 : i32
    %c0_i32_0 = arith.constant 0 : i32
    %c0_i32_1 = arith.constant 0 : i32
    return %c0_i32, %c0_i32_0 : i32, i32
  }
  func.func @transform_5(%arg0: i32) -> (i32, i32) {
    %c0_i32 = arith.constant 0 : i32
    %c0_i32_0 = arith.constant 0 : i32
    %c0_i32_1 = arith.constant 0 : i32
    return %c0_i32, %c0_i32_0 : i32, i32
  }
  func.func @transform_6(%arg0: i32) -> (i32, i32) {
    %c0_i32 = arith.constant 0 : i32
    %c0_i32_0 = arith.constant 0 : i32
    %c0_i32_1 = arith.constant 0 : i32
    return %c0_i32, %c0_i32_0 : i32, i32
  }
  func.func @transform_7(%arg0: i32) -> (i32, i32) {
    %c0_i32 = arith.constant 0 : i32
    %c0_i32_0 = arith.constant 0 : i32
    %c0_i32_1 = arith.constant 0 : i32
    return %c0_i32, %c0_i32_0 : i32, i32
  }
  func.func @transform_8(%arg0: i32) -> (i32, i32) {
    %c0_i32 = arith.constant 0 : i32
    %c0_i32_0 = arith.constant 0 : i32
    return %arg0, %c0_i32 : i32, i32
  }
  func.func @transform_9(%arg0: i32) -> (i32, i32) {
    %c0_i32 = arith.constant 0 : i32
    %c0_i32_0 = arith.constant 0 : i32
    return %arg0, %c0_i32 : i32, i32
  }
  func.func @transform_10(%arg0: i32) -> (i32, i32) {
    %c0_i32 = arith.constant 0 : i32
    %c0_i32_0 = arith.constant 0 : i32
    return %arg0, %c0_i32 : i32, i32
  }
}

module attributes {stable_mosaic.version = 14 : i64} {
  func.func @_ffn_body(%arg0: i32, %arg1: i32, %arg2: memref<1x641x768xf32, #tpu.memory_space<vmem>>, %arg3: memref<1x768x1536xf32, #tpu.memory_space<vmem>>, %arg4: memref<1x1x1536xf32, #tpu.memory_space<vmem>>, %arg5: memref<1x1536x768xf32, #tpu.memory_space<vmem>>, %arg6: memref<1x1x768xf32, #tpu.memory_space<vmem>>, %arg7: memref<1x641x768xf32, #tpu.memory_space<vmem>>) attributes {dimension_semantics = [#tpu.dimension_semantics<arbitrary>, #tpu.dimension_semantics<arbitrary>], iteration_bounds = array<i64: 8, 2>, scalar_prefetch = 0 : i64, scratch_operands = 0 : i64, tpu.core_type = #tpu.core_type<tc>, window_params = [{transform_indices = @transform_0, window_bounds = array<i64: 1, 641, 768>}, {transform_indices = @transform_1, window_bounds = array<i64: 1, 768, 1536>}, {transform_indices = @transform_2, window_bounds = array<i64: 1, 1, 1536>}, {transform_indices = @transform_3, window_bounds = array<i64: 1, 1536, 768>}, {transform_indices = @transform_4, window_bounds = array<i64: 1, 1, 768>}, {transform_indices = @transform_5, window_bounds = array<i64: 1, 641, 768>}]} {
    %eq3A = arith.constant 0 : i32
    %eq3A_0 = arith.cmpi eq, %arg1, %eq3A : i32
    %convert_element_type3A = arith.extui %eq3A_0 : i1 to i32
    %cond3A = arith.constant 0 : i32
    %cond3A_1 = arith.cmpi ne, %convert_element_type3A, %cond3A : i32
    scf.if %cond3A_1 {
      %get3A_51 = arith.constant 0 : index
      %get3A_52 = arith.constant 0 : index
      %get3A_53 = arith.constant 0 : index
      %get3A_54 = vector.load %arg6[%get3A_51, %get3A_52, %get3A_53] : memref<1x1x768xf32, #tpu.memory_space<vmem>>, vector<1x1x768xf32>
      %broadcast_in_dim3A_55 = vector.shape_cast %get3A_54 : vector<1x1x768xf32> to vector<1x1x768xf32>
      %broadcast_in_dim3A_56 = vector.broadcast %broadcast_in_dim3A_55 : vector<1x1x768xf32> to vector<1x641x768xf32>
      %swap3A_57 = arith.constant 0 : index
      %swap3A_58 = arith.constant 0 : index
      %swap3A_59 = arith.constant 0 : index
      %swap3A_60 = vector.load %arg7[%swap3A_57, %swap3A_58, %swap3A_59] : memref<1x641x768xf32, #tpu.memory_space<vmem>>, vector<1x641x768xf32>
      tpu.vector_store %arg7[%swap3A_57, %swap3A_58, %swap3A_59], %broadcast_in_dim3A_56 {strides = array<i32>} : memref<1x641x768xf32, #tpu.memory_space<vmem>>, vector<1x641x768xf32>,
    } else {
    }
    %get3A = arith.constant 0 : index
    %get3A_2 = arith.constant 0 : index
    %get3A_3 = arith.constant 0 : index
    %get3A_4 = vector.load %arg2[%get3A, %get3A_2, %get3A_3] : memref<1x641x768xf32, #tpu.memory_space<vmem>>, vector<1x641x768xf32>
    %get3A_5 = vector.shape_cast %get3A_4 : vector<1x641x768xf32> to vector<641x768xf32>
    %convert_element_type3A_6 = arith.truncf %get3A_5 : vector<641x768xf32> to vector<641x768xbf16>
    %get3A_7 = arith.constant 0 : index
    %get3A_8 = arith.constant 0 : index
    %get3A_9 = arith.constant 0 : index
    %get3A_10 = vector.load %arg3[%get3A_7, %get3A_8, %get3A_9] : memref<1x768x1536xf32, #tpu.memory_space<vmem>>, vector<1x768x1536xf32>
    %get3A_11 = vector.shape_cast %get3A_10 : vector<1x768x1536xf32> to vector<768x1536xf32>
    %convert_element_type3A_12 = arith.truncf %get3A_11 : vector<768x1536xf32> to vector<768x1536xbf16>
    %dot_general3A = arith.constant dense<0.000000e+00> : vector<641x1536xf32>
    %dot_general3A_13 = tpu.matmul %convert_element_type3A_6, %convert_element_type3A_12, %dot_general3A {dimension_numbers = #tpu.dot_dimension_numbers<[1], [0], [0], [1], [0, 0, 1, 1], [], []>, transpose_lhs_hint = false} : vector<641x768xbf16>, vector<768x1536xbf16>, vector<641x1536xf32> -> vector<641x1536xf32>
    %get3A_14 = arith.constant 0 : index
    %get3A_15 = arith.constant 0 : index
    %get3A_16 = arith.constant 0 : index
    %get3A_17 = vector.load %arg4[%get3A_14, %get3A_15, %get3A_16] : memref<1x1x1536xf32, #tpu.memory_space<vmem>>, vector<1x1x1536xf32>
    %get3A_18 = vector.shape_cast %get3A_17 : vector<1x1x1536xf32> to vector<1x1536xf32>
    %add3A = vector.broadcast %get3A_18 : vector<1x1536xf32> to vector<641x1536xf32>
    %add3A_19 = arith.addf %dot_general3A_13, %add3A : vector<641x1536xf32>
    %integer_pow3A = arith.mulf %add3A_19, %add3A_19 : vector<641x1536xf32>
    %integer_pow3A_20 = arith.mulf %add3A_19, %integer_pow3A : vector<641x1536xf32>
    %mul3A = arith.constant 4.471500e-02 : f32
    %mul3A_21 = vector.broadcast %mul3A : f32 to vector<641x1536xf32>
    %mul3A_22 = arith.mulf %mul3A_21, %integer_pow3A_20 : vector<641x1536xf32>
    %add3A_23 = arith.addf %add3A_19, %mul3A_22 : vector<641x1536xf32>
    %mul3A_24 = arith.constant 0.797884583 : f32
    %mul3A_25 = vector.broadcast %mul3A_24 : f32 to vector<641x1536xf32>
    %mul3A_26 = arith.mulf %mul3A_25, %add3A_23 : vector<641x1536xf32>
    %tanh3A = math.tanh %mul3A_26 : vector<641x1536xf32>
    %add3A_27 = arith.constant 1.000000e+00 : f32
    %add3A_28 = vector.broadcast %add3A_27 : f32 to vector<641x1536xf32>
    %add3A_29 = arith.addf %add3A_28, %tanh3A : vector<641x1536xf32>
    %mul3A_30 = arith.constant 5.000000e-01 : f32
    %mul3A_31 = vector.broadcast %mul3A_30 : f32 to vector<641x1536xf32>
    %mul3A_32 = arith.mulf %mul3A_31, %add3A_29 : vector<641x1536xf32>
    %mul3A_33 = arith.mulf %add3A_19, %mul3A_32 : vector<641x1536xf32>
    %convert_element_type3A_34 = arith.truncf %mul3A_33 : vector<641x1536xf32> to vector<641x1536xbf16>
    %get3A_35 = arith.constant 0 : index
    %get3A_36 = arith.constant 0 : index
    %get3A_37 = arith.constant 0 : index
    %get3A_38 = vector.load %arg7[%get3A_35, %get3A_36, %get3A_37] : memref<1x641x768xf32, #tpu.memory_space<vmem>>, vector<1x641x768xf32>
    %get3A_39 = arith.constant 0 : index
    %get3A_40 = arith.constant 0 : index
    %get3A_41 = arith.constant 0 : index
    %get3A_42 = vector.load %arg5[%get3A_39, %get3A_40, %get3A_41] : memref<1x1536x768xf32, #tpu.memory_space<vmem>>, vector<1x1536x768xf32>
    %get3A_43 = vector.shape_cast %get3A_42 : vector<1x1536x768xf32> to vector<1536x768xf32>
    %convert_element_type3A_44 = arith.truncf %get3A_43 : vector<1536x768xf32> to vector<1536x768xbf16>
    %dot_general3A_45 = arith.constant dense<0.000000e+00> : vector<641x768xf32>
    %dot_general3A_46 = tpu.matmul %convert_element_type3A_34, %convert_element_type3A_44, %dot_general3A_45 {dimension_numbers = #tpu.dot_dimension_numbers<[1], [0], [0], [1], [0, 0, 1, 1], [], []>, transpose_lhs_hint = false} : vector<641x1536xbf16>, vector<1536x768xbf16>, vector<641x768xf32> -> vector<641x768xf32>
    %broadcast_in_dim3A = vector.shape_cast %dot_general3A_46 : vector<641x768xf32> to vector<1x641x768xf32>
    %add3A_47 = arith.addf %get3A_38, %broadcast_in_dim3A : vector<1x641x768xf32>
    %swap3A = arith.constant 0 : index
    %swap3A_48 = arith.constant 0 : index
    %swap3A_49 = arith.constant 0 : index
    %swap3A_50 = vector.load %arg7[%swap3A, %swap3A_48, %swap3A_49] : memref<1x641x768xf32, #tpu.memory_space<vmem>>, vector<1x641x768xf32>
    tpu.vector_store %arg7[%swap3A, %swap3A_48, %swap3A_49], %add3A_47 {strides = array<i32>} : memref<1x641x768xf32, #tpu.memory_space<vmem>>, vector<1x641x768xf32>,
    return
  }
  func.func @transform_0(%arg0: i32, %arg1: i32) -> (i32, i32, i32) {
    %c0_i32 = arith.constant 0 : i32
    %c0_i32_0 = arith.constant 0 : i32
    %c0_i32_1 = arith.constant 0 : i32
    return %arg0, %c0_i32, %c0_i32_0 : i32, i32, i32
  }
  func.func @transform_1(%arg0: i32, %arg1: i32) -> (i32, i32, i32) {
    %c0_i32 = arith.constant 0 : i32
    %c0_i32_0 = arith.constant 0 : i32
    return %arg0, %c0_i32, %arg1 : i32, i32, i32
  }
  func.func @transform_2(%arg0: i32, %arg1: i32) -> (i32, i32, i32) {
    %c0_i32 = arith.constant 0 : i32
    %c0_i32_0 = arith.constant 0 : i32
    return %arg0, %c0_i32, %arg1 : i32, i32, i32
  }
  func.func @transform_3(%arg0: i32, %arg1: i32) -> (i32, i32, i32) {
    %c0_i32 = arith.constant 0 : i32
    %c0_i32_0 = arith.constant 0 : i32
    return %arg0, %arg1, %c0_i32 : i32, i32, i32
  }
  func.func @transform_4(%arg0: i32, %arg1: i32) -> (i32, i32, i32) {
    %c0_i32 = arith.constant 0 : i32
    %c0_i32_0 = arith.constant 0 : i32
    %c0_i32_1 = arith.constant 0 : i32
    return %arg0, %c0_i32, %c0_i32_0 : i32, i32, i32
  }
  func.func @transform_5(%arg0: i32, %arg1: i32) -> (i32, i32, i32) {
    %c0_i32 = arith.constant 0 : i32
    %c0_i32_0 = arith.constant 0 : i32
    %c0_i32_1 = arith.constant 0 : i32
    return %arg0, %c0_i32, %c0_i32_0 : i32, i32, i32
  }
}

module attributes {stable_mosaic.version = 14 : i64} {
  func.func @_final_body(%arg0: i32, %arg1: memref<512x768xf32, #tpu.memory_space<vmem>>, %arg2: memref<512x768xf32, #tpu.memory_space<vmem>>, %arg3: memref<512x768xf32, #tpu.memory_space<vmem>>, %arg4: memref<512x2xf32, #tpu.memory_space<vmem>>, %arg5: memref<512x2xf32, #tpu.memory_space<vmem>>, %arg6: memref<1x768xf32, #tpu.memory_space<vmem>>, %arg7: memref<1x768xf32, #tpu.memory_space<vmem>>, %arg8: memref<1x768xf32, #tpu.memory_space<vmem>>) attributes {dimension_semantics = [#tpu.dimension_semantics<arbitrary>], iteration_bounds = array<i64: 4>, scalar_prefetch = 0 : i64, scratch_operands = 0 : i64, tpu.core_type = #tpu.core_type<tc>, window_params = [{transform_indices = @transform_0, window_bounds = array<i64: 512, 768>}, {transform_indices = @transform_1, window_bounds = array<i64: 512, 768>}, {transform_indices = @transform_2, window_bounds = array<i64: 512, 768>}, {transform_indices = @transform_3, window_bounds = array<i64: 512, 2>}, {transform_indices = @transform_4, window_bounds = array<i64: 512, 2>}, {pipeline_mode = #tpu.pipeline_mode<synchronous>, transform_indices = @transform_5, window_bounds = array<i64: 1, 768>}, {pipeline_mode = #tpu.pipeline_mode<synchronous>, transform_indices = @transform_6, window_bounds = array<i64: 1, 768>}, {pipeline_mode = #tpu.pipeline_mode<synchronous>, transform_indices = @transform_7, window_bounds = array<i64: 1, 768>}]} {
    %get3A = arith.constant 0 : index
    %get3A_0 = arith.constant 0 : index
    %get3A_1 = vector.load %arg4[%get3A, %get3A_0] : memref<512x2xf32, #tpu.memory_space<vmem>>, vector<512x1xf32>
    %get3A_2 = arith.constant 0 : index
    %get3A_3 = arith.constant 1 : index
    %get3A_4 = vector.load %arg4[%get3A_2, %get3A_3] : memref<512x2xf32, #tpu.memory_space<vmem>>, vector<512x1xf32>
    %get3A_5 = arith.constant 0 : index
    %get3A_6 = arith.constant 0 : index
    %get3A_7 = vector.load %arg5[%get3A_5, %get3A_6] : memref<512x2xf32, #tpu.memory_space<vmem>>, vector<512x1xf32>
    %get3A_8 = arith.constant 0 : index
    %get3A_9 = arith.constant 1 : index
    %get3A_10 = vector.load %arg5[%get3A_8, %get3A_9] : memref<512x2xf32, #tpu.memory_space<vmem>>, vector<512x1xf32>
    %get3A_11 = arith.constant 0 : index
    %get3A_12 = arith.constant 0 : index
    %get3A_13 = vector.load %arg1[%get3A_11, %get3A_12] : memref<512x768xf32, #tpu.memory_space<vmem>>, vector<512x768xf32>
    %gt3A = arith.constant 5.000000e-01 : f32
    %gt3A_14 = vector.broadcast %gt3A : f32 to vector<512x1xf32>
    %gt3A_15 = arith.cmpf ogt, %get3A_7, %gt3A_14 : vector<512x1xf32>
    %get3A_16 = arith.constant 0 : index
    %get3A_17 = arith.constant 0 : index
    %get3A_18 = vector.load %arg2[%get3A_16, %get3A_17] : memref<512x768xf32, #tpu.memory_space<vmem>>, vector<512x768xf32>
    %mul3A = vector.broadcast %get3A_1 : vector<512x1xf32> to vector<512x768xf32>
    %mul3A_19 = arith.mulf %get3A_18, %mul3A : vector<512x768xf32>
    %jit3A = arith.constant 0.000000e+00 : f32
    %broadcast_in_dim3A = vector.shape_cast %gt3A_15 : vector<512x1xi1> to vector<512x1xi1>
    %broadcast_in_dim3A_20 = vector.broadcast %broadcast_in_dim3A : vector<512x1xi1> to vector<512x768xi1>
    %broadcast_in_dim3A_21 = vector.broadcast %jit3A : f32 to vector<512x768xf32>
    %select_n3A = arith.select %broadcast_in_dim3A_20, %mul3A_19, %broadcast_in_dim3A_21 : vector<512x768xi1>, vector<512x768xf32>
    %add3A = arith.addf %get3A_13, %select_n3A : vector<512x768xf32>
    %gt3A_22 = arith.constant 5.000000e-01 : f32
    %gt3A_23 = vector.broadcast %gt3A_22 : f32 to vector<512x1xf32>
    %gt3A_24 = arith.cmpf ogt, %get3A_10, %gt3A_23 : vector<512x1xf32>
    %get3A_25 = arith.constant 0 : index
    %get3A_26 = arith.constant 0 : index
    %get3A_27 = vector.load %arg3[%get3A_25, %get3A_26] : memref<512x768xf32, #tpu.memory_space<vmem>>, vector<512x768xf32>
    %mul3A_28 = vector.broadcast %get3A_4 : vector<512x1xf32> to vector<512x768xf32>
    %mul3A_29 = arith.mulf %get3A_27, %mul3A_28 : vector<512x768xf32>
    %jit3A_30 = arith.constant 0.000000e+00 : f32
    %broadcast_in_dim3A_31 = vector.shape_cast %gt3A_24 : vector<512x1xi1> to vector<512x1xi1>
    %broadcast_in_dim3A_32 = vector.broadcast %broadcast_in_dim3A_31 : vector<512x1xi1> to vector<512x768xi1>
    %broadcast_in_dim3A_33 = vector.broadcast %jit3A_30 : f32 to vector<512x768xf32>
    %select_n3A_34 = arith.select %broadcast_in_dim3A_32, %mul3A_29, %broadcast_in_dim3A_33 : vector<512x768xi1>, vector<512x768xf32>
    %add3A_35 = arith.addf %add3A, %select_n3A_34 : vector<512x768xf32>
    %reduce_sum3A = arith.constant dense<0.000000e+00> : vector<512xf32>
    %reduce_sum3A_36 = vector.multi_reduction <add>, %add3A_35, %reduce_sum3A [1] : vector<512x768xf32> to vector<512xf32>
    %broadcast_in_dim3A_37 = vector.shape_cast %reduce_sum3A_36 : vector<512xf32> to vector<512x1xf32>
    %div3A = arith.constant 7.680000e+02 : f32
    %div3A_38 = vector.broadcast %div3A : f32 to vector<512x1xf32>
    %div3A_39 = arith.divf %broadcast_in_dim3A_37, %div3A_38 : vector<512x1xf32>
    %sub3A = vector.broadcast %div3A_39 : vector<512x1xf32> to vector<512x768xf32>
    %sub3A_40 = arith.subf %add3A_35, %sub3A : vector<512x768xf32>
    %integer_pow3A = arith.mulf %sub3A_40, %sub3A_40 : vector<512x768xf32>
    %reduce_sum3A_41 = arith.constant dense<0.000000e+00> : vector<512xf32>
    %reduce_sum3A_42 = vector.multi_reduction <add>, %integer_pow3A, %reduce_sum3A_41 [1] : vector<512x768xf32> to vector<512xf32>
    %broadcast_in_dim3A_43 = vector.shape_cast %reduce_sum3A_42 : vector<512xf32> to vector<512x1xf32>
    %div3A_44 = arith.constant 7.680000e+02 : f32
    %div3A_45 = vector.broadcast %div3A_44 : f32 to vector<512x1xf32>
    %div3A_46 = arith.divf %broadcast_in_dim3A_43, %div3A_45 : vector<512x1xf32>
    %sub3A_47 = vector.broadcast %div3A_39 : vector<512x1xf32> to vector<512x768xf32>
    %sub3A_48 = arith.subf %add3A_35, %sub3A_47 : vector<512x768xf32>
    %add3A_49 = arith.constant 9.99999974E-6 : f32
    %add3A_50 = vector.broadcast %add3A_49 : f32 to vector<512x1xf32>
    %add3A_51 = arith.addf %div3A_46, %add3A_50 : vector<512x1xf32>
    %sqrt3A = math.sqrt %add3A_51 : vector<512x1xf32>
    %div3A_52 = vector.broadcast %sqrt3A : vector<512x1xf32> to vector<512x768xf32>
    %div3A_53 = arith.divf %sub3A_48, %div3A_52 : vector<512x768xf32>
    %get3A_54 = arith.constant 0 : index
    %get3A_55 = arith.constant 0 : index
    %get3A_56 = vector.load %arg6[%get3A_54, %get3A_55] : memref<1x768xf32, #tpu.memory_space<vmem>>, vector<1x768xf32>
    %mul3A_57 = vector.broadcast %get3A_56 : vector<1x768xf32> to vector<512x768xf32>
    %mul3A_58 = arith.mulf %div3A_53, %mul3A_57 : vector<512x768xf32>
    %get3A_59 = arith.constant 0 : index
    %get3A_60 = arith.constant 0 : index
    %get3A_61 = vector.load %arg7[%get3A_59, %get3A_60] : memref<1x768xf32, #tpu.memory_space<vmem>>, vector<1x768xf32>
    %add3A_62 = vector.broadcast %get3A_61 : vector<1x768xf32> to vector<512x768xf32>
    %add3A_63 = arith.addf %mul3A_58, %add3A_62 : vector<512x768xf32>
    %reduce_sum3A_64 = arith.constant dense<0.000000e+00> : vector<768xf32>
    %reduce_sum3A_65 = vector.multi_reduction <add>, %add3A_63, %reduce_sum3A_64 [0] : vector<512x768xf32> to vector<768xf32>
    %broadcast_in_dim3A_66 = vector.shape_cast %reduce_sum3A_65 : vector<768xf32> to vector<1x768xf32>
    %eq3A = arith.constant 0 : i32
    %eq3A_67 = arith.cmpi eq, %arg0, %eq3A : i32
    %convert_element_type3A = arith.extui %eq3A_67 : i1 to i32
    %cond3A = arith.constant 0 : i32
    %cond3A_68 = arith.cmpi ne, %convert_element_type3A, %cond3A : i32
    scf.if %cond3A_68 {
      %broadcast_in_dim3A_80 = arith.constant 0.000000e+00 : f32
      %broadcast_in_dim3A_81 = vector.broadcast %broadcast_in_dim3A_80 : f32 to vector<1x768xf32>
      %swap3A_82 = arith.constant 0 : index
      %swap3A_83 = arith.constant 0 : index
      %swap3A_84 = vector.load %arg8[%swap3A_82, %swap3A_83] : memref<1x768xf32, #tpu.memory_space<vmem>>, vector<1x768xf32>
      tpu.vector_store %arg8[%swap3A_82, %swap3A_83], %broadcast_in_dim3A_81 {strides = array<i32>} : memref<1x768xf32, #tpu.memory_space<vmem>>, vector<1x768xf32>,
    } else {
    }
    %get3A_69 = arith.constant 0 : index
    %get3A_70 = arith.constant 0 : index
    %get3A_71 = vector.load %arg8[%get3A_69, %get3A_70] : memref<1x768xf32, #tpu.memory_space<vmem>>, vector<1x768xf32>
    %add3A_72 = arith.addf %get3A_71, %broadcast_in_dim3A_66 : vector<1x768xf32>
    %swap3A = arith.constant 0 : index
    %swap3A_73 = arith.constant 0 : index
    %swap3A_74 = vector.load %arg8[%swap3A, %swap3A_73] : memref<1x768xf32, #tpu.memory_space<vmem>>, vector<1x768xf32>
    tpu.vector_store %arg8[%swap3A, %swap3A_73], %add3A_72 {strides = array<i32>} : memref<1x768xf32, #tpu.memory_space<vmem>>, vector<1x768xf32>,
    %eq3A_75 = arith.constant 3 : i32
    %eq3A_76 = arith.cmpi eq, %arg0, %eq3A_75 : i32
    %convert_element_type3A_77 = arith.extui %eq3A_76 : i1 to i32
    %cond3A_78 = arith.constant 0 : i32
    %cond3A_79 = arith.cmpi ne, %convert_element_type3A_77, %cond3A_78 : i32
    scf.if %cond3A_79 {
      %get3A_80 = arith.constant 0 : index
      %get3A_81 = arith.constant 0 : index
      %get3A_82 = vector.load %arg8[%get3A_80, %get3A_81] : memref<1x768xf32, #tpu.memory_space<vmem>>, vector<1x768xf32>
      %mul3A_83 = arith.constant 4.8828125E-4 : f32
      %mul3A_84 = vector.broadcast %mul3A_83 : f32 to vector<1x768xf32>
      %mul3A_85 = arith.mulf %get3A_82, %mul3A_84 : vector<1x768xf32>
      %swap3A_86 = arith.constant 0 : index
      %swap3A_87 = arith.constant 0 : index
      %swap3A_88 = vector.load %arg8[%swap3A_86, %swap3A_87] : memref<1x768xf32, #tpu.memory_space<vmem>>, vector<1x768xf32>
      tpu.vector_store %arg8[%swap3A_86, %swap3A_87], %mul3A_85 {strides = array<i32>} : memref<1x768xf32, #tpu.memory_space<vmem>>, vector<1x768xf32>,
    } else {
    }
    return
  }
  func.func @transform_0(%arg0: i32) -> (i32, i32) {
    %c0_i32 = arith.constant 0 : i32
    %c0_i32_0 = arith.constant 0 : i32
    return %arg0, %c0_i32 : i32, i32
  }
  func.func @transform_1(%arg0: i32) -> (i32, i32) {
    %c0_i32 = arith.constant 0 : i32
    %c0_i32_0 = arith.constant 0 : i32
    return %arg0, %c0_i32 : i32, i32
  }
  func.func @transform_2(%arg0: i32) -> (i32, i32) {
    %add3A = arith.constant 4 : i32
    %add3A_0 = arith.addi %arg0, %add3A : i32
    %c0_i32 = arith.constant 0 : i32
    %c0_i32_1 = arith.constant 0 : i32
    return %add3A_0, %c0_i32 : i32, i32
  }
  func.func @transform_3(%arg0: i32) -> (i32, i32) {
    %c0_i32 = arith.constant 0 : i32
    %c0_i32_0 = arith.constant 0 : i32
    return %arg0, %c0_i32 : i32, i32
  }
  func.func @transform_4(%arg0: i32) -> (i32, i32) {
    %c0_i32 = arith.constant 0 : i32
    %c0_i32_0 = arith.constant 0 : i32
    return %arg0, %c0_i32 : i32, i32
  }
  func.func @transform_5(%arg0: i32) -> (i32, i32) {
    %c0_i32 = arith.constant 0 : i32
    %c0_i32_0 = arith.constant 0 : i32
    %c0_i32_1 = arith.constant 0 : i32
    return %c0_i32, %c0_i32_0 : i32, i32
  }
  func.func @transform_6(%arg0: i32) -> (i32, i32) {
    %c0_i32 = arith.constant 0 : i32
    %c0_i32_0 = arith.constant 0 : i32
    %c0_i32_1 = arith.constant 0 : i32
    return %c0_i32, %c0_i32_0 : i32, i32
  }
  func.func @transform_7(%arg0: i32) -> (i32, i32) {
    %c0_i32 = arith.constant 0 : i32
    %c0_i32_0 = arith.constant 0 : i32
    %c0_i32_1 = arith.constant 0 : i32
    return %c0_i32, %c0_i32_0 : i32, i32
  }
}

</mosaic_0001>

<sc_bundles>
// kernel: kernel.12.cloned.1.call-start
scs
__scs_entry_jumppad:
0x0: {  	(pc) =	sbr.rel $0x88, $3  }
0x1: {  	(tag) =	ssettag $0x0;
	lr =	simm.s32 $0x1  }
0x2: {  	[smem:$0x3F8E] =	sst lr;
	_ =	strace $0xD0000000  }
0x3: {  	_ = 	snop  }
0x4: {  	_ = 	snop  }
0x5: {  	_ = 	snop  }
0x6: {  	_ = 	snop  }
0x7: {  	_ = 	snop  }
__scs_overlays_trampoline_lowered:
0x8: {  	[smem:$0x3F9D] =	sst s0  }
0x9: {  	[smem:$0x3F9E] =	sst s1  }
0xa: {  	[smem:$0x3F9F] =	sst s2  }
0xb: {  	[smem:$0x3FA0] =	sst s3  }
0xc: {  	[smem:$0x3FA1] =	sst s4  }
0xd: {  	[smem:$0x3FA2] =	sst s5  }
0xe: {  	[smem:$0x3FA3] =	sst s6  }
0xf: {  	[smem:$0x3FA4] =	sst s7  }
0x10: {  	[smem:$0x3FA5] =	sst s8  }
0x11: {  	[smem:$0x3FA6] =	sst s9;
	s0 =	simm.s32 @!p0 $0x0  }
0x12: {  	s1 =	sld [smem:$0x3F8C];
	s0 =	simm.s32 @p0 $0x1  }
0x13: {  	[smem:$0x3FA7] =	sst s0;
	s0 =	simm.s32 @!p1 $0x0  }
0x14: {  	s2 =	sld [smem:$0x3F8B];
	s0 =	simm.s32 @p1 $0x1  }
0x15: {  	[smem:$0x3FA8] =	sst s0;
	s0 =	simm.s32 @!p2 $0x0  }
0x16: {  	s3 =	sld [smem:$0x3FDB];
	s0 =	simm.s32 @p2 $0x1  }
0x17: {  	s4 =	simm.s32 $0x1BF5;
	[smem:$0x3FAA] =	sst s0  }
0x18: {  	s0 =	sld [smem:$0x3F8D];
	_ =	swait.ge [sflag:s4], $0x0  }
0x19: {  	s7 =	sld [smem:$0x3F8E]  }
0x1a: {  	s8 =	sadd.s32 $0xFFFFE003, lr  }
0x1b: {  	s9 =	sadd.s32 $0xFFFFFEF7, lr;
	s5 =	simm.s32 $0xFFFFFFFF;
	p2 =	slt.u32 s8, $0xFFFFF086  }
0x1c: {  	p1 =	slt.u32 s9, $0xF7A;
	s5 =	simm.s32 @!p2 $0x0  }
0x1d: {  	s5 =	simm.s32 @p1 $0x1;
	p0 =	seq.s32 s7, s2  }
0x1e: {  	s7 =	smul.u32 @!p0 $0xF7A, s2;
	p2 =	seq.s32 @!p0 s5, $0x0  }
0x1f: {  	s9 =	smul.u32 $0xF7A, s1;
	s8 =	simm.s32 @!p0 $0x1BF5;
	p2 =	por !p2, p0  }
0x20: {  	[sflag:s8] =	ssyncset.s32 @!p0 $0xFFFFF086;
	s6 =	sadd.s32 @!p0 s3, s7;
	s7 =	simm.s32 @!p0 $0x108  }
0x21: {  	s3 =	sadd.s32 s3, s9;
	s6 =	sadd.s32 @!p0 $0x88, s6;
	s7 =	simm.s32 @p2 $0x1082  }
0x22: {  	[simem:s7], [sflag:s8] =	dma.local @!p0 [hbm:s6], $0xF7A  }
0x23: {  	s9 =	sor.u32 $0xD0000000, s2;
	s6 =	simm.s32 $0x108;
	_ =	swait.ge @!p0 [sflag:s8], $0x0  }
0x24: {  	s3 =	sadd.s32 $0x88, s3;
	s6 =	simm.s32 @!p1 $0x1082;
	[sflag:s4] =	ssyncset.s32 $0xFFFFF086  }
0x25: {  	[simem:s6], [sflag:s4] =	dma.local [hbm:s3], $0xF7A  }
0x26: {  	[smem:$0x3F8E] =	sst s1;
	(tag) =	ssettag s2;
	_ =	strace s9  }
0x27: {  	s1 =	sld [smem:$0x3F9E]  }
0x28: {  	s2 =	sld [smem:$0x3F9F]  }
0x29: {  	s4 =	sld [smem:$0x3FA1]  }
0x2a: {  	p0 =	seq.s32 s5, $0x0;
	s5 =	sld [smem:$0x3FA2]  }
0x2b: {  	s6 =	sld [smem:$0x3FA3]  }
0x2c: {  	s7 =	sld [smem:$0x3FA4]  }
0x2d: {  	s3 =	simm.s32 $0x108;
	s8 =	sld [smem:$0x3FA5]  }
0x2e: {  	s3 =	simm.s32 @!p0 $0x1082;
	s9 =	sld [smem:$0x3FA6]  }
0x2f: {  	lr =	sadd.s32 s0, s3;
	s0 =	sld [smem:$0x3F9D]  }
0x30: {  	s3 =	sld [smem:$0x3FA0]  }
0x31: {  	[smem:$0x3FA9] =	sst s10  }
0x32: {  	s10 =	sld [smem:$0x3FA7];
	_ =	sdelay $0x3  }
0x33: {  	p0 =	seq.s32 s10, $0x1;
	s10 =	sld [smem:$0x3FA9];
	_ =	sdelay $0x3  }
0x34: {  	[smem:$0x3FA9] =	sst s10  }
0x35: {  	s10 =	sld [smem:$0x3FA8];
	_ =	sdelay $0x3  }
0x36: {  	p1 =	seq.s32 s10, $0x1;
	s10 =	sld [smem:$0x3FA9];
	_ =	sdelay $0x3  }
0x37: {  	[smem:$0x3FA9] =	sst s10  }
0x38: {  	s10 =	sld [smem:$0x3FAA]  }
0x39: {  	_ = 	snop;
	(pc) =	sbr.ind lr, $3  }
0x3a: {  	_ = 	snop  }
0x3b: {  	_ = 	snop  }
0x3c: {  	p2 =	seq.s32 s10, $0x1;
	s10 =	sld [smem:$0x3FA9]  }
0x3d: {  	_ =	shalt  }
0x3e: {  	_ =	shalt  }
0x3f: {  	_ =	shalt  }
0x40: {  	_ =	shalt  }
0x41: {  	_ =	shalt  }
0x42: {  	_ =	shalt  }
0x43: {  	_ =	shalt  }
0x44: {  	_ =	shalt  }
0x45: {  	_ =	shalt  }
0x46: {  	_ =	shalt  }
0x47: {  	_ =	shalt  }
0x48: {  	_ =	shalt  }
0x49: {  	_ =	shalt  }
0x4a: {  	_ =	shalt  }
0x4b: {  	_ =	shalt  }
0x4c: {  	_ =	shalt  }
0x4d: {  	_ =	shalt  }
0x4e: {  	_ =	shalt  }
0x4f: {  	_ =	shalt  }
0x50: {  	_ =	shalt  }
0x51: {  	_ =	shalt  }
0x52: {  	_ =	shalt  }
0x53: {  	_ =	shalt  }
0x54: {  	_ =	shalt  }
0x55: {  	_ =	shalt  }
0x56: {  	_ =	shalt  }
0x57: {  	_ =	shalt  }
0x58: {  	_ =	shalt  }
0x59: {  	_ =	shalt  }
0x5a: {  	_ =	shalt  }
0x5b: {  	_ =	shalt  }
0x5c: {  	_ =	shalt  }
0x5d: {  	_ =	shalt  }
0x5e: {  	_ =	shalt  }
0x5f: {  	_ =	shalt  }
0x60: {  	_ =	shalt  }
0x61: {  	_ =	shalt  }
0x62: {  	_ =	shalt  }
0x63: {  	_ =	shalt  }
0x64: {  	_ =	shalt  }
0x65: {  	_ =	shalt  }
0x66: {  	_ =	shalt  }
0x67: {  	_ =	shalt  }
0x68: {  	_ =	shalt  }
0x69: {  	_ =	shalt  }
0x6a: {  	_ =	shalt  }
0x6b: {  	_ =	shalt  }
0x6c: {  	_ =	shalt  }
0x6d: {  	_ =	shalt  }
0x6e: {  	_ =	shalt  }
0x6f: {  	_ =	shalt  }
0x70: {  	_ =	shalt  }
0x71: {  	_ =	shalt  }
0x72: {  	_ =	shalt  }
0x73: {  	_ =	shalt  }
0x74: {  	_ =	shalt  }
0x75: {  	_ =	shalt  }
0x76: {  	_ =	shalt  }
0x77: {  	_ =	shalt  }
0x78: {  	_ =	shalt  }
0x79: {  	_ =	shalt  }
0x7a: {  	_ =	shalt  }
0x7b: {  	_ =	shalt  }
0x7c: {  	_ =	shalt  }
0x7d: {  	_ =	shalt  }
0x7e: {  	_ =	shalt  }
0x7f: {  	_ =	shalt  }
0x80: {  	_ =	shalt  }
0x81: {  	_ =	shalt  }
0x82: {  	_ =	shalt  }
0x83: {  	_ =	shalt  }
0x84: {  	_ =	shalt  }
0x85: {  	_ =	shalt  }
0x86: {  	_ =	shalt  }
0x87: {  	_ =	shalt  }
.Lfunc_end0:
.L_simem_size_0:
called_computation.1_lowered:
.L_overlay_start_0:
0x88: {  	s2 =	sld [smem:$0x3FD9]  }
0x89: {  	s3 =	sld [smem:$0x3FFE];
	_ =	sdelay $0x1  }
0x8a: {  	s1 =	srdreg.scid  }
0x8b: {  	s0 =	sand.u32 $0x1, s1  }
0x8c: {  	s16 =	sshll.u32 s0, $0xA;
	s2 =	sadd.s32 s3, s2  }
0x8d: {  	s2 =	sadd.s32 s2, s16  }
0x8e: {  	[smem:$0x3FB5] =	sst s2  }
0x8f: {  	_ = 	snop  }
0x90: {  	(tm) =	ssettm $0x1  }
0x91: {  	s17 =	sld [smem:$0x3FFB];
	_ =	sdelay $0x3  }
0x92: {  	_ =	strace s17  }
0x93: {  	s2 =	sld [smem:$0x3FFC];
	_ =	sdelay $0x3  }
0x94: {  	_ =	strace s2  }
0x95: {  	s2 =	sld [smem:$0x3FFD];
	_ =	sdelay $0x3  }
0x96: {  	_ =	strace s2  }
0x97: {  	_ =	strace $0x8FFFFFFF  }
0x98: {  	s18 =	sld [smem:$0x3FDB];
	_ =	sdelay $0x1  }
0x99: {  	s19 =	simm.s32 $_scs_section_size  }
0x9a: {  	s4 =	simm.s32 $_size__tile_overlayer_lowered;
	s5 =	simm.s32 $_tile_overlayer_lowered  }
0x9b: {  	s22 =	simm.s32 $0x1BFF;
	s21 =	sshll.u32 s5, $0x1;
	s2 =	sadd.s32 s19, s18  }
0x9c: {  	s6 =	simm.s32 $0x0;
	s20 =	sshll.u32 s4, $0x1;
	s4 =	sadd.s32 s21, s2  }
0x9d: {  	[timem:s6], [sflag:s22] =	dma.local [hbm:s4], s20  }
0x9e: {  	_ =	swait.ge [sflag:s22], s20  }
0x9f: {  	s3 =	ssub.s32 $0x0, s20;
	[sflag:s22] =	ssyncset.done $0x0  }
0xa0: {  	[sflag:s22] =	ssyncadd.s32 s3;
	_ =	sdelay $0x1  }
0xa1: {  	s23 =	simm.s32 $0x1B8B  }
0xa2: {  	_ =	swait.ge [sflag:s23], $0x1  }
0xa3: {  	[sflag:s23] =	ssyncset.done $0x0  }
0xa4: {  	s25 =	simm.s32 $0x1B8E;
	s24 =	sld [smem:$0x3FFE];
	[sflag:s23] =	ssyncadd.s32 $0xFFFFFFFF  }
0xa5: {  	s26 =	simm.s32 $execute0_lowered;
	[smem:$0x3FD2] =	sst s25  }
0xa6: {  	s4 =	sshll.u32 s26, $0x1;
	_ =	strace $0x80000049;
	[dreg:$0x1] =	wrdreg $0xFFFFFFFF  }
0xa7: {  	s28 =	simm.s32 $_size_execute0_lowered;
	s2 =	sadd.s32 s2, s4;
	[dreg:$0x0] =	wrdreg $0x0  }
0xa8: {  	s4 =	sshll.u32 s28, $0x1;
	[dreg:$0x2] =	wrdreg s2  }
0xa9: {  	[dreg:$0x3] =	wrdreg s4  }
0xaa: {  	[dreg:$0x4] =	wrdreg $0xC0  }
0xab: {  	_ =	task [dreg:s6], $0x5FFFF  }
0xac: {  	[dreg:$0x1] =	wrdreg $0xFFFFFFFF  }
0xad: {  	[dreg:$0x0] =	wrdreg $0x60  }
0xae: {  	[dreg:$0x2] =	wrdreg s24  }
0xaf: {  	[dreg:$0x3] =	wrdreg $0x9  }
0xb0: {  	_ =	task.clear_ibuf [dreg:s6], $0x4FFFF;
	_ =	strace $0x90000049  }
0xb1: {  	s29 =	simm.s32 $0x9;
	_ =	strace $0x8000004B  }
0xb2: {  	_ =	swait.ge [sflag:s29], $0x1  }
0xb3: {  	[sflag:s29] =	ssyncadd.s32 $0xFFFFFFFF  }
0xb4: {  	_ =	strace $0x9000004B  }
0xb5: {  	_ =	sfence  }
0xb6: {  	s30 =	sld [smem:$0x0];
	_ =	sdelay $0x2  }
0xb7: {  	s31 =	sshll.u32 s1, $0xD;
	s1 =	sshrl.u32 s1, $0x2  }
0xb8: {  	s3 =	sand.u32 $0x4000, s31;
	s1 =	sadd.s32 s1, s30  }
0xb9: {  	s0 =	sor.u32 s3, s0;
	s1 =	sshll.u32 s1, $0x11  }
0xba: {  	s0 =	sor.u32 s1, s0  }
0xbb: {  	s0 =	sadd.s32 $0x8F2B, s0  }
0xbc: {  	[sflag:s0] =	ssyncadd.remote.s32 $0x1  }
0xbd: {  	_ =	sfence.sel $0xFFFF  }
0xbe: {  	[dreg:$0x0] =	wrdreg $0xFFFFFFFF;
	(pc) =	sbr.abs _section_cstart, $3  }
0xbf: {  	[dreg:$0x1] =	wrdreg $0xFFFFFFFF  }
0xc0: {  	_ =	task.clear_ibuf [dreg:s6], $0x2FFFF;
	_ =	strace $0x9FFFFFFF  }
0xc1: {  	(tm) =	ssettm $0x7FFFFFFF  }
tec
execute0_lowered:
.L_overlay_start_1:
0x0: {  	(tag) =	ssettag $0x1  }
0x1: {  	s1 =	srdreg.scid  }
0x2: {  	s0 =	stileid.u32;
	s1 =	sand.u32 $0x1, s1  }
0x3: {  	s2 =	sshll.u32 s0, $0x5;
	s3 =	sshll.u32 s1, $0x4  }
0x4: {  	s5 =	rddreg [dreg:$0x0];
	s3 =	sor.u32 s3, s2;
	s2 =	simm.s32 $0x0  }
0x5: {  	s26 =	simm.s32 $0x880;
	[smem:$0x7FF] =	sst s2  }
0x6: {  	s0 =	simm.s32 $0x1080;
	_ =	strace $0x8000004A;
	[dreg:$0x4] =	wrdreg s26  }
0x7: {  	s6 =	simm.s32 $0x2080;
	[dreg:$0x5] =	wrdreg s0  }
0x8: {  	s7 =	simm.s32 $0x2880;
	[dreg:$0x7] =	wrdreg s6  }
0x9: {  	s8 =	simm.s32 $0x3080;
	[dreg:$0x8] =	wrdreg s7  }
0xa: {  	s9 =	simm.s32 $0x3880;
	[dreg:$0x9] =	wrdreg s8  }
0xb: {  	s10 =	simm.s32 $0x4080;
	[dreg:$0xa] =	wrdreg s9  }
0xc: {  	s11 =	simm.s32 $0x4880;
	[dreg:$0xb] =	wrdreg s10  }
0xd: {  	s12 =	simm.s32 $0x5080;
	[dreg:$0xc] =	wrdreg s11  }
0xe: {  	s13 =	simm.s32 $0x5880;
	[dreg:$0xd] =	wrdreg s12  }
0xf: {  	s14 =	simm.s32 $0x6080;
	[dreg:$0xe] =	wrdreg s13  }
0x10: {  	s15 =	simm.s32 $0x6880;
	[dreg:$0xf] =	wrdreg s14  }
0x11: {  	s16 =	simm.s32 $0x7080;
	[dreg:$0x10] =	wrdreg s15  }
0x12: {  	s17 =	simm.s32 $0x7880;
	s18 =	simm.s32 $0x8080;
	[dreg:$0x11] =	wrdreg s16  }
0x13: {  	s19 =	simm.s32 $0x8880;
	s20 =	simm.s32 $0x9080;
	[dreg:$0x12] =	wrdreg s17  }
0x14: {  	s21 =	simm.s32 $0x9880;
	s22 =	simm.s32 $0xA080;
	[dreg:$0x13] =	wrdreg s18  }
0x15: {  	s23 =	simm.s32 $0xA880;
	s24 =	simm.s32 $0xB880;
	[dreg:$0x14] =	wrdreg s19  }
0x16: {  	s28 =	simm.s32 $0x16080;
	s29 =	simm.s32 $0x16880;
	[dreg:$0x15] =	wrdreg s20  }
0x17: {  	s30 =	simm.s32 $0x17080;
	s31 =	simm.s32 $0x17880;
	[dreg:$0x16] =	wrdreg s21  }
0x18: {  	s4 =	smul.u32 $0x300, s3;
	s3 =	sadd.s32 s3, s5;
	[dreg:$0x17] =	wrdreg s22  }
0x19: {  	s1 =	ssub.s32 $0x2, s1;
	s3 =	sadd.s32 $0x32C00, s3;
	[dreg:$0x18] =	wrdreg s23  }
0x1a: {  	s6 =	sshrl.u32 s1, $0x1;
	s7 =	simm.s32 $0xB080;
	[dreg:$0x1a] =	wrdreg s24  }
0x1b: {  	s8 =	simm.s32 $0x80;
	s26 =	simm.s32 $0xC880;
	s10 =	simm.s32 $0xD880  }
0x1c: {  	s11 =	simm.s32 $0xE080;
	s12 =	simm.s32 $0xE880;
	s13 =	simm.s32 $0xF080  }
0x1d: {  	s14 =	simm.s32 $0xF880;
	s15 =	simm.s32 $0x10080;
	s16 =	simm.s32 $0x10880  }
0x1e: {  	s17 =	simm.s32 $0x11080;
	s18 =	simm.s32 $0x11880;
	s19 =	simm.s32 $0x12080  }
0x1f: {  	s20 =	simm.s32 $0x12880;
	s21 =	simm.s32 $0x13080;
	s22 =	simm.s32 $0x13880  }
0x20: {  	s23 =	simm.s32 $0x14080;
	s24 =	simm.s32 $0x14880;
	[dreg:$0x2] =	wrdreg s3  }
0x21: {  	s4 =	sadd.s32 s4, s5;
	s3 =	sadd.s32 $0x32E00, s5;
	[dreg:$0x19] =	wrdreg s7  }
0x22: {  	s1 =	ssub.s32 s1, s6;
	s7 =	simm.s32 $0x2;
	[dreg:$0x1c] =	wrdreg s26  }
0x23: {  	s26 =	simm.s32 $0x15880;
	s25 =	sadd.s32 $0xAB200, s4;
	s4 =	simm.s32 $0x1880  }
0x24: {  	v2 =	vlaneseq.u32;
	s6 =	smax.u32 s1, $0x1;
	s1 =	simm.s32 $0x1;
	[dreg:$0x3] =	wrdreg s25  }
0x25: {  	vm0 =	vmmov $0xffff;
	v1 =	vshrl.u32 v2, $0x3;
	[dreg:$0x6] =	wrdreg s4;
	s4 =	sadd.s32 $0x32F00, s5;
	s25 =	simm.s32 $0xC080  }
0x26: {  	v0 =	vand.u32 $0x7, v2;
	v2 =	vor.u32 $0x8, v2;
	v1 =	vmul.u32 $0x8, v1;
	s5 =	sadd.s32 $0x33000, s5;
	[dreg:$0x1b] =	wrdreg s25;
	s25 =	simm.s32 $0x15080  }
.LBB2_1:
0x27: {  	s0 =	rddreg [dreg:$0x2]  }
0x28: {  	[tilespmem:s2], [sflag:$0x2] =	stream.linear.gather [hbm4b:s0+s2], $0x80, $0x38;
	[tilespmem:$0x18080] =	vst v63  }
0x29: {  	_ =	swait.ge [sflag:s7], $0x80  }
0x2a: {  	[sflag:s7] =	ssyncset.done $0x0  }
0x2b: {  	[sflag:s7] =	ssyncadd.s32 $0xFFFFFF80  }
0x2c: {  	v3 =	vld [tilespmem:$0x0];
	_ =	sdelay $0x4  }
0x2d: {  	v4 =	vshrl.u32 v3, $0x3  }
0x2e: {  	v4 =	vmul.u32 $0x30, v4  }
0x2f: {  	v3 =	vand.u32 $0x7, v3  }
0x30: {  	v3 =	vor.u32 v3, v4  }
0x31: {  	v4 =	vperm.xlane v3, v0;
	_ =	sdelay $0x1  }
0x32: {  	v4 =	vadd.s32 v1, v4;
	_ =	sdelay $0x3  }
0x33: {  	v3 =	vperm.xlane v3, v2  }
0x34: {  	[tilespmem:s8], [sflag:$0x1] =	stream.indirect_vreg.gather [hbm4b:s3+s2], $0x80, v4, vm0, $0xb8;
	[tilespmem:$0x18080] =	vst v63  }
0x35: {  	s0 =	rddreg [dreg:$0x4];
	v3 =	vadd.s32 v1, v3  }
0x36: {  	[tilespmem:s0], [sflag:$0x1] =	stream.indirect_vreg.gather [hbm4b:s4+s2], $0x80, v4, vm0, $0xb8;
	[tilespmem:$0x18080] =	vst v63  }
0x37: {  	s9 =	rddreg [dreg:$0x5]  }
0x38: {  	[tilespmem:s9], [sflag:$0x1] =	stream.indirect_vreg.gather [hbm4b:s5+s2], $0x80, v4, vm0, $0xb8;
	[tilespmem:$0x18080] =	vst v63  }
0x39: {  	s0 =	rddreg [dreg:$0x6]  }
0x3a: {  	[tilespmem:s0], [sflag:$0x1] =	stream.indirect_vreg.gather [hbm4b:s3+s2], $0x80, v3, vm0, $0xb8;
	[tilespmem:$0x18080] =	vst v63  }
0x3b: {  	s9 =	rddreg [dreg:$0x7]  }
0x3c: {  	[tilespmem:s9], [sflag:$0x1] =	stream.indirect_vreg.gather [hbm4b:s4+s2], $0x80, v3, vm0, $0xb8;
	[tilespmem:$0x18080] =	vst v63  }
0x3d: {  	s0 =	rddreg [dreg:$0x8]  }
0x3e: {  	[tilespmem:s0], [sflag:$0x1] =	stream.indirect_vreg.gather [hbm4b:s5+s2], $0x80, v3, vm0, $0xb8;
	[tilespmem:$0x18080] =	vst v63  }
0x3f: {  	v3 =	vld [tilespmem:$0x10];
	_ =	sdelay $0x4  }
0x40: {  	v57 =	vshrl.u32 v3, $0x3  }
0x41: {  	v4 =	vmul.u32 $0x30, v57  }
0x42: {  	v3 =	vand.u32 $0x7, v3  }
0x43: {  	v3 =	vor.u32 v3, v4  }
0x44: {  	v4 =	vperm.xlane v3, v0;
	_ =	sdelay $0x1  }
0x45: {  	v4 =	vadd.s32 v1, v4;
	_ =	sdelay $0x3  }
0x46: {  	s0 =	rddreg [dreg:$0x9];
	v3 =	vperm.xlane v3, v2  }
0x47: {  	[tilespmem:s0], [sflag:$0x1] =	stream.indirect_vreg.gather [hbm4b:s3+s2], $0x80, v4, vm0, $0xb8;
	[tilespmem:$0x18080] =	vst v63  }
0x48: {  	s9 =	rddreg [dreg:$0xa];
	v3 =	vadd.s32 v1, v3  }
0x49: {  	[tilespmem:s9], [sflag:$0x1] =	stream.indirect_vreg.gather [hbm4b:s4+s2], $0x80, v4, vm0, $0xb8;
	[tilespmem:$0x18080] =	vst v63  }
0x4a: {  	s0 =	rddreg [dreg:$0xb]  }
0x4b: {  	[tilespmem:s0], [sflag:$0x1] =	stream.indirect_vreg.gather [hbm4b:s5+s2], $0x80, v4, vm0, $0xb8;
	[tilespmem:$0x18080] =	vst v63  }
0x4c: {  	s9 =	rddreg [dreg:$0xc]  }
0x4d: {  	[tilespmem:s9], [sflag:$0x1] =	stream.indirect_vreg.gather [hbm4b:s3+s2], $0x80, v3, vm0, $0xb8;
	[tilespmem:$0x18080] =	vst v63  }
0x4e: {  	s0 =	rddreg [dreg:$0xd]  }
0x4f: {  	[tilespmem:s0], [sflag:$0x1] =	stream.indirect_vreg.gather [hbm4b:s4+s2], $0x80, v3, vm0, $0xb8;
	[tilespmem:$0x18080] =	vst v63  }
0x50: {  	s9 =	rddreg [dreg:$0xe]  }
0x51: {  	[tilespmem:s9], [sflag:$0x1] =	stream.indirect_vreg.gather [hbm4b:s5+s2], $0x80, v3, vm0, $0xb8;
	[tilespmem:$0x18080] =	vst v63  }
0x52: {  	v3 =	vld [tilespmem:$0x20];
	_ =	sdelay $0x4  }
0x53: {  	v58 =	vshrl.u32 v3, $0x3  }
0x54: {  	v4 =	vmul.u32 $0x30, v58  }
0x55: {  	v3 =	vand.u32 $0x7, v3  }
0x56: {  	v3 =	vor.u32 v3, v4  }
0x57: {  	v4 =	vperm.xlane v3, v0;
	_ =	sdelay $0x1  }
0x58: {  	v4 =	vadd.s32 v1, v4;
	_ =	sdelay $0x3  }
0x59: {  	s0 =	rddreg [dreg:$0xf];
	v3 =	vperm.xlane v3, v2  }
0x5a: {  	[tilespmem:s0], [sflag:$0x1] =	stream.indirect_vreg.gather [hbm4b:s3+s2], $0x80, v4, vm0, $0xb8;
	[tilespmem:$0x18080] =	vst v63  }
0x5b: {  	s9 =	rddreg [dreg:$0x10];
	v3 =	vadd.s32 v1, v3  }
0x5c: {  	[tilespmem:s9], [sflag:$0x1] =	stream.indirect_vreg.gather [hbm4b:s4+s2], $0x80, v4, vm0, $0xb8;
	[tilespmem:$0x18080] =	vst v63  }
0x5d: {  	s0 =	rddreg [dreg:$0x11]  }
0x5e: {  	[tilespmem:s0], [sflag:$0x1] =	stream.indirect_vreg.gather [hbm4b:s5+s2], $0x80, v4, vm0, $0xb8;
	[tilespmem:$0x18080] =	vst v63  }
0x5f: {  	s9 =	rddreg [dreg:$0x12]  }
0x60: {  	[tilespmem:s9], [sflag:$0x1] =	stream.indirect_vreg.gather [hbm4b:s3+s2], $0x80, v3, vm0, $0xb8;
	[tilespmem:$0x18080] =	vst v63  }
0x61: {  	s0 =	rddreg [dreg:$0x13]  }
0x62: {  	[tilespmem:s0], [sflag:$0x1] =	stream.indirect_vreg.gather [hbm4b:s4+s2], $0x80, v3, vm0, $0xb8;
	[tilespmem:$0x18080] =	vst v63  }
0x63: {  	s9 =	rddreg [dreg:$0x14]  }
0x64: {  	[tilespmem:s9], [sflag:$0x1] =	stream.indirect_vreg.gather [hbm4b:s5+s2], $0x80, v3, vm0, $0xb8;
	[tilespmem:$0x18080] =	vst v63  }
0x65: {  	v3 =	vld [tilespmem:$0x30];
	_ =	sdelay $0x4  }
0x66: {  	v59 =	vshrl.u32 v3, $0x3  }
0x67: {  	v4 =	vmul.u32 $0x30, v59  }
0x68: {  	v3 =	vand.u32 $0x7, v3  }
0x69: {  	v3 =	vor.u32 v3, v4  }
0x6a: {  	v4 =	vperm.xlane v3, v0;
	_ =	sdelay $0x1  }
0x6b: {  	v4 =	vadd.s32 v1, v4;
	_ =	sdelay $0x3  }
0x6c: {  	s0 =	rddreg [dreg:$0x15];
	v3 =	vperm.xlane v3, v2  }
0x6d: {  	[tilespmem:s0], [sflag:$0x1] =	stream.indirect_vreg.gather [hbm4b:s3+s2], $0x80, v4, vm0, $0xb8;
	[tilespmem:$0x18080] =	vst v63  }
0x6e: {  	s9 =	rddreg [dreg:$0x16];
	v3 =	vadd.s32 v1, v3  }
0x6f: {  	[tilespmem:s9], [sflag:$0x1] =	stream.indirect_vreg.gather [hbm4b:s4+s2], $0x80, v4, vm0, $0xb8;
	[tilespmem:$0x18080] =	vst v63  }
0x70: {  	s0 =	rddreg [dreg:$0x17]  }
0x71: {  	[tilespmem:s0], [sflag:$0x1] =	stream.indirect_vreg.gather [hbm4b:s5+s2], $0x80, v4, vm0, $0xb8;
	[tilespmem:$0x18080] =	vst v63  }
0x72: {  	s9 =	rddreg [dreg:$0x18]  }
0x73: {  	[tilespmem:s9], [sflag:$0x1] =	stream.indirect_vreg.gather [hbm4b:s3+s2], $0x80, v3, vm0, $0xb8;
	[tilespmem:$0x18080] =	vst v63  }
0x74: {  	s0 =	rddreg [dreg:$0x19]  }
0x75: {  	[tilespmem:s0], [sflag:$0x1] =	stream.indirect_vreg.gather [hbm4b:s4+s2], $0x80, v3, vm0, $0xb8;
	[tilespmem:$0x18080] =	vst v63  }
0x76: {  	s9 =	rddreg [dreg:$0x1a]  }
0x77: {  	[tilespmem:s9], [sflag:$0x1] =	stream.indirect_vreg.gather [hbm4b:s5+s2], $0x80, v3, vm0, $0xb8;
	[tilespmem:$0x18080] =	vst v63  }
0x78: {  	v3 =	vld [tilespmem:$0x40];
	_ =	sdelay $0x4  }
0x79: {  	v60 =	vshrl.u32 v3, $0x3  }
0x7a: {  	v4 =	vmul.u32 $0x30, v60  }
0x7b: {  	v3 =	vand.u32 $0x7, v3  }
0x7c: {  	v3 =	vor.u32 v3, v4  }
0x7d: {  	v4 =	vperm.xlane v3, v0;
	_ =	sdelay $0x1  }
0x7e: {  	v4 =	vadd.s32 v1, v4;
	_ =	sdelay $0x3  }
0x7f: {  	s0 =	rddreg [dreg:$0x1b];
	v3 =	vperm.xlane v3, v2  }
0x80: {  	[tilespmem:s0], [sflag:$0x1] =	stream.indirect_vreg.gather [hbm4b:s3+s2], $0x80, v4, vm0, $0xb8;
	[tilespmem:$0x18080] =	vst v63  }
0x81: {  	s9 =	rddreg [dreg:$0x1c];
	v3 =	vadd.s32 v1, v3  }
0x82: {  	[tilespmem:s9], [sflag:$0x1] =	stream.indirect_vreg.gather [hbm4b:s4+s2], $0x80, v4, vm0, $0xb8;
	[tilespmem:$0x18080] =	vst v63  }
0x83: {  	s9 =	simm.s32 $0xD080  }
0x84: {  	[tilespmem:s9], [sflag:$0x1] =	stream.indirect_vreg.gather [hbm4b:s5+s2], $0x80, v4, vm0, $0xb8;
	[tilespmem:$0x18080] =	vst v63  }
0x85: {  	_ = 	snop  }
0x86: {  	[tilespmem:s10], [sflag:$0x1] =	stream.indirect_vreg.gather [hbm4b:s3+s2], $0x80, v3, vm0, $0xb8;
	[tilespmem:$0x18080] =	vst v63  }
0x87: {  	_ = 	snop  }
0x88: {  	[tilespmem:s11], [sflag:$0x1] =	stream.indirect_vreg.gather [hbm4b:s4+s2], $0x80, v3, vm0, $0xb8;
	[tilespmem:$0x18080] =	vst v63  }
0x89: {  	_ = 	snop  }
0x8a: {  	[tilespmem:s12], [sflag:$0x1] =	stream.indirect_vreg.gather [hbm4b:s5+s2], $0x80, v3, vm0, $0xb8;
	[tilespmem:$0x18080] =	vst v63  }
0x8b: {  	v3 =	vld [tilespmem:$0x50];
	_ =	sdelay $0x4  }
0x8c: {  	v61 =	vshrl.u32 v3, $0x3  }
0x8d: {  	v4 =	vmul.u32 $0x30, v61  }
0x8e: {  	v3 =	vand.u32 $0x7, v3  }
0x8f: {  	v3 =	vor.u32 v3, v4  }
0x90: {  	v4 =	vperm.xlane v3, v0;
	_ =	sdelay $0x1  }
0x91: {  	v4 =	vadd.s32 v1, v4;
	_ =	sdelay $0x3  }
0x92: {  	v3 =	vperm.xlane v3, v2  }
0x93: {  	[tilespmem:s13], [sflag:$0x1] =	stream.indirect_vreg.gather [hbm4b:s3+s2], $0x80, v4, vm0, $0xb8;
	[tilespmem:$0x18080] =	vst v63  }
0x94: {  	v3 =	vadd.s32 v1, v3  }
0x95: {  	[tilespmem:s14], [sflag:$0x1] =	stream.indirect_vreg.gather [hbm4b:s4+s2], $0x80, v4, vm0, $0xb8;
	[tilespmem:$0x18080] =	vst v63  }
0x96: {  	_ = 	snop  }
0x97: {  	[tilespmem:s15], [sflag:$0x1] =	stream.indirect_vreg.gather [hbm4b:s5+s2], $0x80, v4, vm0, $0xb8;
	[tilespmem:$0x18080] =	vst v63  }
0x98: {  	_ = 	snop  }
0x99: {  	[tilespmem:s16], [sflag:$0x1] =	stream.indirect_vreg.gather [hbm4b:s3+s2], $0x80, v3, vm0, $0xb8;
	[tilespmem:$0x18080] =	vst v63  }
0x9a: {  	_ = 	snop  }
0x9b: {  	[tilespmem:s17], [sflag:$0x1] =	stream.indirect_vreg.gather [hbm4b:s4+s2], $0x80, v3, vm0, $0xb8;
	[tilespmem:$0x18080] =	vst v63  }
0x9c: {  	_ = 	snop  }
0x9d: {  	[tilespmem:s18], [sflag:$0x1] =	stream.indirect_vreg.gather [hbm4b:s5+s2], $0x80, v3, vm0, $0xb8;
	[tilespmem:$0x18080] =	vst v63  }
0x9e: {  	v3 =	vld [tilespmem:$0x60];
	_ =	sdelay $0x4  }
0x9f: {  	v62 =	vshrl.u32 v3, $0x3  }
0xa0: {  	v4 =	vmul.u32 $0x30, v62  }
0xa1: {  	v3 =	vand.u32 $0x7, v3  }
0xa2: {  	v3 =	vor.u32 v3, v4  }
0xa3: {  	v4 =	vperm.xlane v3, v0;
	_ =	sdelay $0x1  }
0xa4: {  	v4 =	vadd.s32 v1, v4;
	_ =	sdelay $0x3  }
0xa5: {  	v3 =	vperm.xlane v3, v2  }
0xa6: {  	[tilespmem:s19], [sflag:$0x1] =	stream.indirect_vreg.gather [hbm4b:s3+s2], $0x80, v4, vm0, $0xb8;
	[tilespmem:$0x18080] =	vst v63  }
0xa7: {  	v3 =	vadd.s32 v1, v3  }
0xa8: {  	[tilespmem:s20], [sflag:$0x1] =	stream.indirect_vreg.gather [hbm4b:s4+s2], $0x80, v4, vm0, $0xb8;
	[tilespmem:$0x18080] =	vst v63  }
0xa9: {  	_ = 	snop  }
0xaa: {  	[tilespmem:s21], [sflag:$0x1] =	stream.indirect_vreg.gather [hbm4b:s5+s2], $0x80, v4, vm0, $0xb8;
	[tilespmem:$0x18080] =	vst v63  }
0xab: {  	_ = 	snop  }
0xac: {  	[tilespmem:s22], [sflag:$0x1] =	stream.indirect_vreg.gather [hbm4b:s3+s2], $0x80, v3, vm0, $0xb8;
	[tilespmem:$0x18080] =	vst v63  }
0xad: {  	_ = 	snop  }
0xae: {  	[tilespmem:s23], [sflag:$0x1] =	stream.indirect_vreg.gather [hbm4b:s4+s2], $0x80, v3, vm0, $0xb8;
	[tilespmem:$0x18080] =	vst v63  }
0xaf: {  	_ = 	snop  }
0xb0: {  	[tilespmem:s24], [sflag:$0x1] =	stream.indirect_vreg.gather [hbm4b:s5+s2], $0x80, v3, vm0, $0xb8;
	[tilespmem:$0x18080] =	vst v63  }
0xb1: {  	v3 =	vld [tilespmem:$0x70];
	_ =	sdelay $0x4  }
0xb2: {  	v63 =	vshrl.u32 v3, $0x3  }
0xb3: {  	v4 =	vmul.u32 $0x30, v63  }
0xb4: {  	v3 =	vand.u32 $0x7, v3  }
0xb5: {  	v3 =	vor.u32 v3, v4  }
0xb6: {  	v4 =	vperm.xlane v3, v0;
	_ =	sdelay $0x1  }
0xb7: {  	v4 =	vadd.s32 v1, v4;
	_ =	sdelay $0x3  }
0xb8: {  	v3 =	vperm.xlane v3, v2  }
0xb9: {  	[tilespmem:s25], [sflag:$0x1] =	stream.indirect_vreg.gather [hbm4b:s3+s2], $0x80, v4, vm0, $0xb8;
	[tilespmem:$0x18080] =	vst v63  }
0xba: {  	v3 =	vadd.s32 v1, v3  }
0xbb: {  	[tilespmem:s26], [sflag:$0x1] =	stream.indirect_vreg.gather [hbm4b:s4+s2], $0x80, v4, vm0, $0xb8;
	[tilespmem:$0x18080] =	vst v63  }
0xbc: {  	_ = 	snop  }
0xbd: {  	[tilespmem:s28], [sflag:$0x1] =	stream.indirect_vreg.gather [hbm4b:s5+s2], $0x80, v4, vm0, $0xb8;
	[tilespmem:$0x18080] =	vst v63  }
0xbe: {  	_ = 	snop  }
0xbf: {  	[tilespmem:s29], [sflag:$0x1] =	stream.indirect_vreg.gather [hbm4b:s3+s2], $0x80, v3, vm0, $0xb8;
	[tilespmem:$0x18080] =	vst v63  }
0xc0: {  	_ = 	snop  }
0xc1: {  	[tilespmem:s30], [sflag:$0x1] =	stream.indirect_vreg.gather [hbm4b:s4+s2], $0x80, v3, vm0, $0xb8;
	[tilespmem:$0x18080] =	vst v63  }
0xc2: {  	_ = 	snop  }
0xc3: {  	[tilespmem:s31], [sflag:$0x1] =	stream.indirect_vreg.gather [hbm4b:s5+s2], $0x80, v3, vm0, $0xb8;
	[tilespmem:$0x18080] =	vst v63  }
0xc4: {  	_ =	swait.ge [sflag:s1], $0x18000  }
0xc5: {  	p0 =	sne.s32 s6, $0x1;
	[sflag:s1] =	ssyncset.done $0x0  }
.Ltmp0:
0xc6: {  	s9 =	rddreg [dreg:$0x3];
	[sflag:s1] =	ssyncadd.s32 $0xFFFE8000;
	(pc) =	sbr.rel @p0 .LBB2_1-.Ltmp0, $4  }
0xc7: {  	[hbm4b:s9+s2] =	stream.linear.scatter [tilespmem:s8], [sflag:$0x2], $0x18000, $0x38;
	[tilespmem:$0x18080] =	vst v63  }
0xc8: {  	_ =	swait.ge [sflag:s7], $0x18000  }
0xc9: {  	[sflag:s7] =	ssyncset.done $0x0  }
0xca: {  	s6 =	sadd.s32 $0xFFFFFFFF, s6;
	[sflag:s7] =	ssyncadd.s32 $0xFFFE8000  }
0xcb: {  	_ =	sfence.sel $0x180000  }
0xcc: {  	[bflag:$0x0] =	sbarrier.arrive $0xFFFF  }
0xcd: {  	_ =	strace $0x9000004A  }
0xce: {  	s0 =	stileid.u32;
	[bflag:$0x2] =	sbarrier.arrive $0xFFFF  }
0xcf: {  	p0 =	sne.s32 s0, $0x0;
	s0 =	rddreg [dreg:$0x1]  }
0xd0: {  	s0 =	sadd.s32 @!p0 $0x100000, s0  }
0xd1: {  	[sflag:s0] =	ssyncadd.tile.s32 @!p0 $0x1;
	_ =	shalt  }
.Lfunc_end2:
_tile_overlayer_lowered:
.L_overlay_start_2:
0xd2: {  	(tag) =	ssettag $0x2  }
0xd3: {  	s0 =	rddreg [dreg:$0x0];
	s2 =	stileid.u32  }
0xd4: {  	s1 =	rddreg [dreg:$0x1];
	p0 =	sne.s32 s2, $0x0  }
0xd5: {  	s3 =	rddreg [dreg:$0x2];
	[bflag:$0x3] =	sbarrier.arrive $0xFFFF;
	s2 =	simm.s32 @!p0 $0x1C02  }
0xd6: {  	[timem:s3], [sflag:s2] =	dma.local @!p0 [hbm:s0], s1  }
0xd7: {  	s0 =	simm.s32 @!p0 $0x2  }
0xd8: {  	_ =	swait.ge @!p0 [sflag:s0], s1  }
0xd9: {  	s1 =	ssub.s32 @!p0 $0x0, s1;
	[sflag:s0] =	ssyncset.done @!p0 $0x0  }
0xda: {  	[sflag:s0] =	ssyncadd.s32 @!p0 s1  }
0xdb: {  	[bflag:$0x3] =	sbarrier.arrive $0xFFFF  }
0xdc: {  	_ =	shalt  }

// kernel: kernel.9.cloned.1.call-start
scs
__scs_entry_jumppad:
0x0: {  	(pc) =	sbr.rel $0x88, $3  }
0x1: {  	(tag) =	ssettag $0x0;
	lr =	simm.s32 $0x1  }
0x2: {  	[smem:$0x3F8E] =	sst lr;
	_ =	strace $0xD0000000  }
0x3: {  	_ = 	snop  }
0x4: {  	_ = 	snop  }
0x5: {  	_ = 	snop  }
0x6: {  	_ = 	snop  }
0x7: {  	_ = 	snop  }
__scs_overlays_trampoline_lowered:
0x8: {  	[smem:$0x3F9D] =	sst s0  }
0x9: {  	[smem:$0x3F9E] =	sst s1  }
0xa: {  	[smem:$0x3F9F] =	sst s2  }
0xb: {  	[smem:$0x3FA0] =	sst s3  }
0xc: {  	[smem:$0x3FA1] =	sst s4  }
0xd: {  	[smem:$0x3FA2] =	sst s5  }
0xe: {  	[smem:$0x3FA3] =	sst s6  }
0xf: {  	[smem:$0x3FA4] =	sst s7  }
0x10: {  	[smem:$0x3FA5] =	sst s8  }
0x11: {  	[smem:$0x3FA6] =	sst s9;
	s0 =	simm.s32 @!p0 $0x0  }
0x12: {  	s1 =	sld [smem:$0x3F8C];
	s0 =	simm.s32 @p0 $0x1  }
0x13: {  	[smem:$0x3FA7] =	sst s0;
	s0 =	simm.s32 @!p1 $0x0  }
0x14: {  	s2 =	sld [smem:$0x3F8B];
	s0 =	simm.s32 @p1 $0x1  }
0x15: {  	[smem:$0x3FA8] =	sst s0;
	s0 =	simm.s32 @!p2 $0x0  }
0x16: {  	s3 =	sld [smem:$0x3FDB];
	s0 =	simm.s32 @p2 $0x1  }
0x17: {  	s4 =	simm.s32 $0x1BF5;
	[smem:$0x3FAA] =	sst s0  }
0x18: {  	s0 =	sld [smem:$0x3F8D];
	_ =	swait.ge [sflag:s4], $0x0  }
0x19: {  	s7 =	sld [smem:$0x3F8E]  }
0x1a: {  	s8 =	sadd.s32 $0xFFFFE003, lr  }
0x1b: {  	s9 =	sadd.s32 $0xFFFFFEF7, lr;
	s5 =	simm.s32 $0xFFFFFFFF;
	p2 =	slt.u32 s8, $0xFFFFF086  }
0x1c: {  	p1 =	slt.u32 s9, $0xF7A;
	s5 =	simm.s32 @!p2 $0x0  }
0x1d: {  	s5 =	simm.s32 @p1 $0x1;
	p0 =	seq.s32 s7, s2  }
0x1e: {  	s7 =	smul.u32 @!p0 $0xF7A, s2;
	p2 =	seq.s32 @!p0 s5, $0x0  }
0x1f: {  	s9 =	smul.u32 $0xF7A, s1;
	s8 =	simm.s32 @!p0 $0x1BF5;
	p2 =	por !p2, p0  }
0x20: {  	[sflag:s8] =	ssyncset.s32 @!p0 $0xFFFFF086;
	s6 =	sadd.s32 @!p0 s3, s7;
	s7 =	simm.s32 @!p0 $0x108  }
0x21: {  	s3 =	sadd.s32 s3, s9;
	s6 =	sadd.s32 @!p0 $0x88, s6;
	s7 =	simm.s32 @p2 $0x1082  }
0x22: {  	[simem:s7], [sflag:s8] =	dma.local @!p0 [hbm:s6], $0xF7A  }
0x23: {  	s9 =	sor.u32 $0xD0000000, s2;
	s6 =	simm.s32 $0x108;
	_ =	swait.ge @!p0 [sflag:s8], $0x0  }
0x24: {  	s3 =	sadd.s32 $0x88, s3;
	s6 =	simm.s32 @!p1 $0x1082;
	[sflag:s4] =	ssyncset.s32 $0xFFFFF086  }
0x25: {  	[simem:s6], [sflag:s4] =	dma.local [hbm:s3], $0xF7A  }
0x26: {  	[smem:$0x3F8E] =	sst s1;
	(tag) =	ssettag s2;
	_ =	strace s9  }
0x27: {  	s1 =	sld [smem:$0x3F9E]  }
0x28: {  	s2 =	sld [smem:$0x3F9F]  }
0x29: {  	s4 =	sld [smem:$0x3FA1]  }
0x2a: {  	p0 =	seq.s32 s5, $0x0;
	s5 =	sld [smem:$0x3FA2]  }
0x2b: {  	s6 =	sld [smem:$0x3FA3]  }
0x2c: {  	s7 =	sld [smem:$0x3FA4]  }
0x2d: {  	s3 =	simm.s32 $0x108;
	s8 =	sld [smem:$0x3FA5]  }
0x2e: {  	s3 =	simm.s32 @!p0 $0x1082;
	s9 =	sld [smem:$0x3FA6]  }
0x2f: {  	lr =	sadd.s32 s0, s3;
	s0 =	sld [smem:$0x3F9D]  }
0x30: {  	s3 =	sld [smem:$0x3FA0]  }
0x31: {  	[smem:$0x3FA9] =	sst s10  }
0x32: {  	s10 =	sld [smem:$0x3FA7];
	_ =	sdelay $0x3  }
0x33: {  	p0 =	seq.s32 s10, $0x1;
	s10 =	sld [smem:$0x3FA9];
	_ =	sdelay $0x3  }
0x34: {  	[smem:$0x3FA9] =	sst s10  }
0x35: {  	s10 =	sld [smem:$0x3FA8];
	_ =	sdelay $0x3  }
0x36: {  	p1 =	seq.s32 s10, $0x1;
	s10 =	sld [smem:$0x3FA9];
	_ =	sdelay $0x3  }
0x37: {  	[smem:$0x3FA9] =	sst s10  }
0x38: {  	s10 =	sld [smem:$0x3FAA]  }
0x39: {  	_ = 	snop;
	(pc) =	sbr.ind lr, $3  }
0x3a: {  	_ = 	snop  }
0x3b: {  	_ = 	snop  }
0x3c: {  	p2 =	seq.s32 s10, $0x1;
	s10 =	sld [smem:$0x3FA9]  }
0x3d: {  	_ =	shalt  }
0x3e: {  	_ =	shalt  }
0x3f: {  	_ =	shalt  }
0x40: {  	_ =	shalt  }
0x41: {  	_ =	shalt  }
0x42: {  	_ =	shalt  }
0x43: {  	_ =	shalt  }
0x44: {  	_ =	shalt  }
0x45: {  	_ =	shalt  }
0x46: {  	_ =	shalt  }
0x47: {  	_ =	shalt  }
0x48: {  	_ =	shalt  }
0x49: {  	_ =	shalt  }
0x4a: {  	_ =	shalt  }
0x4b: {  	_ =	shalt  }
0x4c: {  	_ =	shalt  }
0x4d: {  	_ =	shalt  }
0x4e: {  	_ =	shalt  }
0x4f: {  	_ =	shalt  }
0x50: {  	_ =	shalt  }
0x51: {  	_ =	shalt  }
0x52: {  	_ =	shalt  }
0x53: {  	_ =	shalt  }
0x54: {  	_ =	shalt  }
0x55: {  	_ =	shalt  }
0x56: {  	_ =	shalt  }
0x57: {  	_ =	shalt  }
0x58: {  	_ =	shalt  }
0x59: {  	_ =	shalt  }
0x5a: {  	_ =	shalt  }
0x5b: {  	_ =	shalt  }
0x5c: {  	_ =	shalt  }
0x5d: {  	_ =	shalt  }
0x5e: {  	_ =	shalt  }
0x5f: {  	_ =	shalt  }
0x60: {  	_ =	shalt  }
0x61: {  	_ =	shalt  }
0x62: {  	_ =	shalt  }
0x63: {  	_ =	shalt  }
0x64: {  	_ =	shalt  }
0x65: {  	_ =	shalt  }
0x66: {  	_ =	shalt  }
0x67: {  	_ =	shalt  }
0x68: {  	_ =	shalt  }
0x69: {  	_ =	shalt  }
0x6a: {  	_ =	shalt  }
0x6b: {  	_ =	shalt  }
0x6c: {  	_ =	shalt  }
0x6d: {  	_ =	shalt  }
0x6e: {  	_ =	shalt  }
0x6f: {  	_ =	shalt  }
0x70: {  	_ =	shalt  }
0x71: {  	_ =	shalt  }
0x72: {  	_ =	shalt  }
0x73: {  	_ =	shalt  }
0x74: {  	_ =	shalt  }
0x75: {  	_ =	shalt  }
0x76: {  	_ =	shalt  }
0x77: {  	_ =	shalt  }
0x78: {  	_ =	shalt  }
0x79: {  	_ =	shalt  }
0x7a: {  	_ =	shalt  }
0x7b: {  	_ =	shalt  }
0x7c: {  	_ =	shalt  }
0x7d: {  	_ =	shalt  }
0x7e: {  	_ =	shalt  }
0x7f: {  	_ =	shalt  }
0x80: {  	_ =	shalt  }
0x81: {  	_ =	shalt  }
0x82: {  	_ =	shalt  }
0x83: {  	_ =	shalt  }
0x84: {  	_ =	shalt  }
0x85: {  	_ =	shalt  }
0x86: {  	_ =	shalt  }
0x87: {  	_ =	shalt  }
.Lfunc_end0:
.L_simem_size_0:
called_computation_lowered:
.L_overlay_start_0:
0x88: {  	s2 =	sld [smem:$0x3FD9]  }
0x89: {  	s3 =	sld [smem:$0x3FFE];
	_ =	sdelay $0x1  }
0x8a: {  	s1 =	srdreg.scid  }
0x8b: {  	s0 =	sand.u32 $0x1, s1  }
0x8c: {  	s16 =	sshll.u32 s0, $0xA;
	s2 =	sadd.s32 s3, s2  }
0x8d: {  	s2 =	sadd.s32 s2, s16  }
0x8e: {  	[smem:$0x3FB5] =	sst s2  }
0x8f: {  	_ = 	snop  }
0x90: {  	(tm) =	ssettm $0x1  }
0x91: {  	s17 =	sld [smem:$0x3FFB];
	_ =	sdelay $0x3  }
0x92: {  	_ =	strace s17  }
0x93: {  	s2 =	sld [smem:$0x3FFC];
	_ =	sdelay $0x3  }
0x94: {  	_ =	strace s2  }
0x95: {  	s2 =	sld [smem:$0x3FFD];
	_ =	sdelay $0x3  }
0x96: {  	_ =	strace s2  }
0x97: {  	_ =	strace $0x8FFFFFFF  }
0x98: {  	s18 =	sld [smem:$0x3FDB];
	_ =	sdelay $0x1  }
0x99: {  	s19 =	simm.s32 $_scs_section_size  }
0x9a: {  	s4 =	simm.s32 $_size__tile_overlayer_lowered;
	s5 =	simm.s32 $_tile_overlayer_lowered  }
0x9b: {  	s22 =	simm.s32 $0x1BFF;
	s21 =	sshll.u32 s5, $0x1;
	s2 =	sadd.s32 s19, s18  }
0x9c: {  	s6 =	simm.s32 $0x0;
	s20 =	sshll.u32 s4, $0x1;
	s4 =	sadd.s32 s21, s2  }
0x9d: {  	[timem:s6], [sflag:s22] =	dma.local [hbm:s4], s20  }
0x9e: {  	_ =	swait.ge [sflag:s22], s20  }
0x9f: {  	s3 =	ssub.s32 $0x0, s20;
	[sflag:s22] =	ssyncset.done $0x0  }
0xa0: {  	[sflag:s22] =	ssyncadd.s32 s3;
	_ =	sdelay $0x1  }
0xa1: {  	s23 =	simm.s32 $0x1B8B  }
0xa2: {  	_ =	swait.ge [sflag:s23], $0x1  }
0xa3: {  	[sflag:s23] =	ssyncset.done $0x0  }
0xa4: {  	s25 =	simm.s32 $0x1B8E;
	s24 =	sld [smem:$0x3FFE];
	[sflag:s23] =	ssyncadd.s32 $0xFFFFFFFF  }
0xa5: {  	s26 =	simm.s32 $execute0_lowered;
	[smem:$0x3FD2] =	sst s25  }
0xa6: {  	s4 =	sshll.u32 s26, $0x1;
	_ =	strace $0x80000046;
	[dreg:$0x1] =	wrdreg $0xFFFFFFFF  }
0xa7: {  	s28 =	simm.s32 $_size_execute0_lowered;
	s2 =	sadd.s32 s2, s4;
	[dreg:$0x0] =	wrdreg $0x0  }
0xa8: {  	s4 =	sshll.u32 s28, $0x1;
	[dreg:$0x2] =	wrdreg s2  }
0xa9: {  	[dreg:$0x3] =	wrdreg s4  }
0xaa: {  	[dreg:$0x4] =	wrdreg $0xC0  }
0xab: {  	_ =	task [dreg:s6], $0x5FFFF  }
0xac: {  	[dreg:$0x1] =	wrdreg $0xFFFFFFFF  }
0xad: {  	[dreg:$0x0] =	wrdreg $0x60  }
0xae: {  	[dreg:$0x2] =	wrdreg s24  }
0xaf: {  	[dreg:$0x3] =	wrdreg $0x9  }
0xb0: {  	_ =	task.clear_ibuf [dreg:s6], $0x4FFFF;
	_ =	strace $0x90000046  }
0xb1: {  	s29 =	simm.s32 $0x9;
	_ =	strace $0x80000048  }
0xb2: {  	_ =	swait.ge [sflag:s29], $0x1  }
0xb3: {  	[sflag:s29] =	ssyncadd.s32 $0xFFFFFFFF  }
0xb4: {  	_ =	strace $0x90000048  }
0xb5: {  	_ =	sfence  }
0xb6: {  	s30 =	sld [smem:$0x0];
	_ =	sdelay $0x2  }
0xb7: {  	s31 =	sshll.u32 s1, $0xD;
	s1 =	sshrl.u32 s1, $0x2  }
0xb8: {  	s3 =	sand.u32 $0x4000, s31;
	s1 =	sadd.s32 s1, s30  }
0xb9: {  	s0 =	sor.u32 s3, s0;
	s1 =	sshll.u32 s1, $0x11  }
0xba: {  	s0 =	sor.u32 s1, s0  }
0xbb: {  	s0 =	sadd.s32 $0x8F2B, s0  }
0xbc: {  	[sflag:s0] =	ssyncadd.remote.s32 $0x1  }
0xbd: {  	_ =	sfence.sel $0xFFFF  }
0xbe: {  	[dreg:$0x0] =	wrdreg $0xFFFFFFFF;
	(pc) =	sbr.abs _section_cstart, $3  }
0xbf: {  	[dreg:$0x1] =	wrdreg $0xFFFFFFFF  }
0xc0: {  	_ =	task.clear_ibuf [dreg:s6], $0x2FFFF;
	_ =	strace $0x9FFFFFFF  }
0xc1: {  	(tm) =	ssettm $0x7FFFFFFF  }
tec
execute0_lowered:
.L_overlay_start_1:
0x0: {  	(tag) =	ssettag $0x1  }
0x1: {  	s1 =	srdreg.scid  }
0x2: {  	s0 =	stileid.u32;
	s1 =	sand.u32 $0x1, s1  }
0x3: {  	s2 =	sshll.u32 s0, $0x5;
	s3 =	sshll.u32 s1, $0x4  }
0x4: {  	s5 =	rddreg [dreg:$0x0];
	s3 =	sor.u32 s3, s2;
	s2 =	simm.s32 $0x0  }
0x5: {  	s0 =	simm.s32 $0x880;
	[smem:$0x7FF] =	sst s2  }
0x6: {  	s6 =	simm.s32 $0x1880;
	_ =	strace $0x80000047;
	[dreg:$0x4] =	wrdreg s0  }
0x7: {  	s7 =	simm.s32 $0x2080;
	[dreg:$0x6] =	wrdreg s6  }
0x8: {  	s8 =	simm.s32 $0x2880;
	[dreg:$0x7] =	wrdreg s7  }
0x9: {  	s9 =	simm.s32 $0x3080;
	[dreg:$0x8] =	wrdreg s8  }
0xa: {  	s10 =	simm.s32 $0x3880;
	[dreg:$0x9] =	wrdreg s9  }
0xb: {  	s11 =	simm.s32 $0x4080;
	[dreg:$0xa] =	wrdreg s10  }
0xc: {  	s12 =	simm.s32 $0x4880;
	[dreg:$0xb] =	wrdreg s11  }
0xd: {  	s13 =	simm.s32 $0x5080;
	[dreg:$0xc] =	wrdreg s12  }
0xe: {  	s14 =	simm.s32 $0x5880;
	[dreg:$0xd] =	wrdreg s13  }
0xf: {  	s15 =	simm.s32 $0x6080;
	[dreg:$0xe] =	wrdreg s14  }
0x10: {  	s16 =	simm.s32 $0x6880;
	s17 =	simm.s32 $0x7080;
	[dreg:$0xf] =	wrdreg s15  }
0x11: {  	s18 =	simm.s32 $0x7880;
	s19 =	simm.s32 $0x8080;
	[dreg:$0x10] =	wrdreg s16  }
0x12: {  	s20 =	simm.s32 $0x8880;
	s21 =	simm.s32 $0x9080;
	[dreg:$0x11] =	wrdreg s17  }
0x13: {  	s22 =	simm.s32 $0x9880;
	s23 =	simm.s32 $0xA080;
	[dreg:$0x12] =	wrdreg s18  }
0x14: {  	s24 =	simm.s32 $0xB080;
	s25 =	simm.s32 $0xB880;
	[dreg:$0x13] =	wrdreg s19  }
0x15: {  	s28 =	simm.s32 $0x15880;
	s29 =	simm.s32 $0x16080;
	[dreg:$0x14] =	wrdreg s20  }
0x16: {  	s30 =	simm.s32 $0x16880;
	s31 =	simm.s32 $0x17080;
	[dreg:$0x15] =	wrdreg s21  }
0x17: {  	s1 =	ssub.s32 $0x2, s1;
	s4 =	sand.u32 $0xF0, s3;
	[dreg:$0x16] =	wrdreg s22  }
0x18: {  	s3 =	sadd.s32 s3, s5;
	s4 =	smul.u32 $0x300, s4;
	[dreg:$0x17] =	wrdreg s23  }
0x19: {  	s3 =	sadd.s32 $0x32C00, s3;
	s6 =	sshrl.u32 s1, $0x1;
	[dreg:$0x19] =	wrdreg s24  }
0x1a: {  	s7 =	simm.s32 $0xA880;
	s8 =	simm.s32 $0x80;
	[dreg:$0x1a] =	wrdreg s25  }
0x1b: {  	s10 =	simm.s32 $0xD080;
	s11 =	simm.s32 $0xD880;
	s12 =	simm.s32 $0xE080  }
0x1c: {  	s13 =	simm.s32 $0xE880;
	s14 =	simm.s32 $0xF080;
	s15 =	simm.s32 $0xF880  }
0x1d: {  	s16 =	simm.s32 $0x10080;
	s17 =	simm.s32 $0x10880;
	s18 =	simm.s32 $0x11080  }
0x1e: {  	s19 =	simm.s32 $0x11880;
	s20 =	simm.s32 $0x12080;
	s21 =	simm.s32 $0x12880  }
0x1f: {  	s22 =	simm.s32 $0x13080;
	s23 =	simm.s32 $0x13880;
	s24 =	simm.s32 $0x14080  }
0x20: {  	s25 =	simm.s32 $0x14880;
	[dreg:$0x2] =	wrdreg s3;
	s3 =	sadd.s32 $0x32E00, s5  }
0x21: {  	s1 =	ssub.s32 s1, s6;
	[dreg:$0x18] =	wrdreg s7;
	s4 =	sadd.s32 s4, s5  }
0x22: {  	s7 =	simm.s32 $0x1;
	s6 =	smax.u32 s1, $0x1;
	s26 =	sadd.s32 $0x2C00, s4  }
0x23: {  	v2 =	vlaneseq.u32;
	s1 =	simm.s32 $0x17880;
	s4 =	simm.s32 $0x1080;
	[dreg:$0x3] =	wrdreg s26  }
0x24: {  	vm0 =	vmmov $0xffff;
	v1 =	vshrl.u32 v2, $0x3;
	[dreg:$0x5] =	wrdreg s4;
	s4 =	sadd.s32 $0x32F00, s5;
	s26 =	simm.s32 $0xC080  }
0x25: {  	v0 =	vand.u32 $0x7, v2;
	v2 =	vor.u32 $0x8, v2;
	v1 =	vmul.u32 $0x8, v1;
	s5 =	sadd.s32 $0x33000, s5;
	[dreg:$0x1b] =	wrdreg s26;
	s26 =	simm.s32 $0x15080  }
.LBB2_1:
0x26: {  	s0 =	rddreg [dreg:$0x2]  }
0x27: {  	[tilespmem:s2], [sflag:$0x1] =	stream.linear.gather [hbm4b:s0+s2], $0x80, $0x38;
	[tilespmem:$0x18080] =	vst v63  }
0x28: {  	_ =	swait.ge [sflag:s7], $0x80  }
0x29: {  	[sflag:s7] =	ssyncset.done $0x0  }
0x2a: {  	s9 =	rddreg [dreg:$0x3];
	[sflag:s7] =	ssyncadd.s32 $0xFFFFFF80  }
0x2b: {  	[tilespmem:s8], [sflag:$0x1] =	stream.linear.gather [hbm4b:s9+s2], $0x18000, $0x38;
	[tilespmem:$0x18080] =	vst v63  }
0x2c: {  	_ =	swait.ge [sflag:s7], $0x18000  }
0x2d: {  	[sflag:s7] =	ssyncset.done $0x0  }
0x2e: {  	[sflag:s7] =	ssyncadd.s32 $0xFFFE8000  }
0x2f: {  	v3 =	vld [tilespmem:$0x0];
	_ =	sdelay $0x4  }
0x30: {  	v4 =	vshrl.u32 v3, $0x3  }
0x31: {  	v4 =	vmul.u32 $0x30, v4  }
0x32: {  	v3 =	vand.u32 $0x7, v3  }
0x33: {  	v3 =	vor.u32 v3, v4  }
0x34: {  	v4 =	vperm.xlane v3, v0;
	_ =	sdelay $0x1  }
0x35: {  	v4 =	vadd.s32 v1, v4;
	_ =	sdelay $0x3  }
0x36: {  	v3 =	vperm.xlane v3, v2  }
0x37: {  	[hbm4b:s3+s2] =	stream.indirect_vreg.scatter [tilespmem:s8], [sflag:$0x1], $0x80, v4, vm0, $0xb8;
	[tilespmem:$0x18080] =	vst v63  }
0x38: {  	s0 =	rddreg [dreg:$0x4];
	v3 =	vadd.s32 v1, v3  }
0x39: {  	[hbm4b:s4+s2] =	stream.indirect_vreg.scatter [tilespmem:s0], [sflag:$0x1], $0x80, v4, vm0, $0xb8;
	[tilespmem:$0x18080] =	vst v63  }
0x3a: {  	s9 =	rddreg [dreg:$0x5]  }
0x3b: {  	[hbm4b:s5+s2] =	stream.indirect_vreg.scatter [tilespmem:s9], [sflag:$0x1], $0x80, v4, vm0, $0xb8;
	[tilespmem:$0x18080] =	vst v63  }
0x3c: {  	s0 =	rddreg [dreg:$0x6]  }
0x3d: {  	[hbm4b:s3+s2] =	stream.indirect_vreg.scatter [tilespmem:s0], [sflag:$0x1], $0x80, v3, vm0, $0xb8;
	[tilespmem:$0x18080] =	vst v63  }
0x3e: {  	s9 =	rddreg [dreg:$0x7]  }
0x3f: {  	[hbm4b:s4+s2] =	stream.indirect_vreg.scatter [tilespmem:s9], [sflag:$0x1], $0x80, v3, vm0, $0xb8;
	[tilespmem:$0x18080] =	vst v63  }
0x40: {  	s0 =	rddreg [dreg:$0x8]  }
0x41: {  	[hbm4b:s5+s2] =	stream.indirect_vreg.scatter [tilespmem:s0], [sflag:$0x1], $0x80, v3, vm0, $0xb8;
	[tilespmem:$0x18080] =	vst v63  }
0x42: {  	v3 =	vld [tilespmem:$0x10];
	_ =	sdelay $0x4  }
0x43: {  	v57 =	vshrl.u32 v3, $0x3  }
0x44: {  	v4 =	vmul.u32 $0x30, v57  }
0x45: {  	v3 =	vand.u32 $0x7, v3  }
0x46: {  	v3 =	vor.u32 v3, v4  }
0x47: {  	v4 =	vperm.xlane v3, v0;
	_ =	sdelay $0x1  }
0x48: {  	v4 =	vadd.s32 v1, v4;
	_ =	sdelay $0x3  }
0x49: {  	s0 =	rddreg [dreg:$0x9];
	v3 =	vperm.xlane v3, v2  }
0x4a: {  	[hbm4b:s3+s2] =	stream.indirect_vreg.scatter [tilespmem:s0], [sflag:$0x1], $0x80, v4, vm0, $0xb8;
	[tilespmem:$0x18080] =	vst v63  }
0x4b: {  	s9 =	rddreg [dreg:$0xa];
	v3 =	vadd.s32 v1, v3  }
0x4c: {  	[hbm4b:s4+s2] =	stream.indirect_vreg.scatter [tilespmem:s9], [sflag:$0x1], $0x80, v4, vm0, $0xb8;
	[tilespmem:$0x18080] =	vst v63  }
0x4d: {  	s0 =	rddreg [dreg:$0xb]  }
0x4e: {  	[hbm4b:s5+s2] =	stream.indirect_vreg.scatter [tilespmem:s0], [sflag:$0x1], $0x80, v4, vm0, $0xb8;
	[tilespmem:$0x18080] =	vst v63  }
0x4f: {  	s9 =	rddreg [dreg:$0xc]  }
0x50: {  	[hbm4b:s3+s2] =	stream.indirect_vreg.scatter [tilespmem:s9], [sflag:$0x1], $0x80, v3, vm0, $0xb8;
	[tilespmem:$0x18080] =	vst v63  }
0x51: {  	s0 =	rddreg [dreg:$0xd]  }
0x52: {  	[hbm4b:s4+s2] =	stream.indirect_vreg.scatter [tilespmem:s0], [sflag:$0x1], $0x80, v3, vm0, $0xb8;
	[tilespmem:$0x18080] =	vst v63  }
0x53: {  	s9 =	rddreg [dreg:$0xe]  }
0x54: {  	[hbm4b:s5+s2] =	stream.indirect_vreg.scatter [tilespmem:s9], [sflag:$0x1], $0x80, v3, vm0, $0xb8;
	[tilespmem:$0x18080] =	vst v63  }
0x55: {  	v3 =	vld [tilespmem:$0x20];
	_ =	sdelay $0x4  }
0x56: {  	v58 =	vshrl.u32 v3, $0x3  }
0x57: {  	v4 =	vmul.u32 $0x30, v58  }
0x58: {  	v3 =	vand.u32 $0x7, v3  }
0x59: {  	v3 =	vor.u32 v3, v4  }
0x5a: {  	v4 =	vperm.xlane v3, v0;
	_ =	sdelay $0x1  }
0x5b: {  	v4 =	vadd.s32 v1, v4;
	_ =	sdelay $0x3  }
0x5c: {  	s0 =	rddreg [dreg:$0xf];
	v3 =	vperm.xlane v3, v2  }
0x5d: {  	[hbm4b:s3+s2] =	stream.indirect_vreg.scatter [tilespmem:s0], [sflag:$0x1], $0x80, v4, vm0, $0xb8;
	[tilespmem:$0x18080] =	vst v63  }
0x5e: {  	s9 =	rddreg [dreg:$0x10];
	v3 =	vadd.s32 v1, v3  }
0x5f: {  	[hbm4b:s4+s2] =	stream.indirect_vreg.scatter [tilespmem:s9], [sflag:$0x1], $0x80, v4, vm0, $0xb8;
	[tilespmem:$0x18080] =	vst v63  }
0x60: {  	s0 =	rddreg [dreg:$0x11]  }
0x61: {  	[hbm4b:s5+s2] =	stream.indirect_vreg.scatter [tilespmem:s0], [sflag:$0x1], $0x80, v4, vm0, $0xb8;
	[tilespmem:$0x18080] =	vst v63  }
0x62: {  	s9 =	rddreg [dreg:$0x12]  }
0x63: {  	[hbm4b:s3+s2] =	stream.indirect_vreg.scatter [tilespmem:s9], [sflag:$0x1], $0x80, v3, vm0, $0xb8;
	[tilespmem:$0x18080] =	vst v63  }
0x64: {  	s0 =	rddreg [dreg:$0x13]  }
0x65: {  	[hbm4b:s4+s2] =	stream.indirect_vreg.scatter [tilespmem:s0], [sflag:$0x1], $0x80, v3, vm0, $0xb8;
	[tilespmem:$0x18080] =	vst v63  }
0x66: {  	s9 =	rddreg [dreg:$0x14]  }
0x67: {  	[hbm4b:s5+s2] =	stream.indirect_vreg.scatter [tilespmem:s9], [sflag:$0x1], $0x80, v3, vm0, $0xb8;
	[tilespmem:$0x18080] =	vst v63  }
0x68: {  	v3 =	vld [tilespmem:$0x30];
	_ =	sdelay $0x4  }
0x69: {  	v59 =	vshrl.u32 v3, $0x3  }
0x6a: {  	v4 =	vmul.u32 $0x30, v59  }
0x6b: {  	v3 =	vand.u32 $0x7, v3  }
0x6c: {  	v3 =	vor.u32 v3, v4  }
0x6d: {  	v4 =	vperm.xlane v3, v0;
	_ =	sdelay $0x1  }
0x6e: {  	v4 =	vadd.s32 v1, v4;
	_ =	sdelay $0x3  }
0x6f: {  	s0 =	rddreg [dreg:$0x15];
	v3 =	vperm.xlane v3, v2  }
0x70: {  	[hbm4b:s3+s2] =	stream.indirect_vreg.scatter [tilespmem:s0], [sflag:$0x1], $0x80, v4, vm0, $0xb8;
	[tilespmem:$0x18080] =	vst v63  }
0x71: {  	s9 =	rddreg [dreg:$0x16];
	v3 =	vadd.s32 v1, v3  }
0x72: {  	[hbm4b:s4+s2] =	stream.indirect_vreg.scatter [tilespmem:s9], [sflag:$0x1], $0x80, v4, vm0, $0xb8;
	[tilespmem:$0x18080] =	vst v63  }
0x73: {  	s0 =	rddreg [dreg:$0x17]  }
0x74: {  	[hbm4b:s5+s2] =	stream.indirect_vreg.scatter [tilespmem:s0], [sflag:$0x1], $0x80, v4, vm0, $0xb8;
	[tilespmem:$0x18080] =	vst v63  }
0x75: {  	s9 =	rddreg [dreg:$0x18]  }
0x76: {  	[hbm4b:s3+s2] =	stream.indirect_vreg.scatter [tilespmem:s9], [sflag:$0x1], $0x80, v3, vm0, $0xb8;
	[tilespmem:$0x18080] =	vst v63  }
0x77: {  	s0 =	rddreg [dreg:$0x19]  }
0x78: {  	[hbm4b:s4+s2] =	stream.indirect_vreg.scatter [tilespmem:s0], [sflag:$0x1], $0x80, v3, vm0, $0xb8;
	[tilespmem:$0x18080] =	vst v63  }
0x79: {  	s9 =	rddreg [dreg:$0x1a]  }
0x7a: {  	[hbm4b:s5+s2] =	stream.indirect_vreg.scatter [tilespmem:s9], [sflag:$0x1], $0x80, v3, vm0, $0xb8;
	[tilespmem:$0x18080] =	vst v63  }
0x7b: {  	v3 =	vld [tilespmem:$0x40];
	_ =	sdelay $0x4  }
0x7c: {  	v60 =	vshrl.u32 v3, $0x3  }
0x7d: {  	v4 =	vmul.u32 $0x30, v60  }
0x7e: {  	v3 =	vand.u32 $0x7, v3  }
0x7f: {  	v3 =	vor.u32 v3, v4  }
0x80: {  	v4 =	vperm.xlane v3, v0;
	_ =	sdelay $0x1  }
0x81: {  	v4 =	vadd.s32 v1, v4;
	_ =	sdelay $0x3  }
0x82: {  	s9 =	rddreg [dreg:$0x1b];
	v3 =	vperm.xlane v3, v2  }
0x83: {  	[hbm4b:s3+s2] =	stream.indirect_vreg.scatter [tilespmem:s9], [sflag:$0x1], $0x80, v4, vm0, $0xb8;
	[tilespmem:$0x18080] =	vst v63  }
0x84: {  	v3 =	vadd.s32 v1, v3;
	s9 =	simm.s32 $0xC880  }
0x85: {  	[hbm4b:s4+s2] =	stream.indirect_vreg.scatter [tilespmem:s9], [sflag:$0x1], $0x80, v4, vm0, $0xb8;
	[tilespmem:$0x18080] =	vst v63  }
0x86: {  	_ = 	snop  }
0x87: {  	[hbm4b:s5+s2] =	stream.indirect_vreg.scatter [tilespmem:s10], [sflag:$0x1], $0x80, v4, vm0, $0xb8;
	[tilespmem:$0x18080] =	vst v63  }
0x88: {  	_ = 	snop  }
0x89: {  	[hbm4b:s3+s2] =	stream.indirect_vreg.scatter [tilespmem:s11], [sflag:$0x1], $0x80, v3, vm0, $0xb8;
	[tilespmem:$0x18080] =	vst v63  }
0x8a: {  	_ = 	snop  }
0x8b: {  	[hbm4b:s4+s2] =	stream.indirect_vreg.scatter [tilespmem:s12], [sflag:$0x1], $0x80, v3, vm0, $0xb8;
	[tilespmem:$0x18080] =	vst v63  }
0x8c: {  	_ = 	snop  }
0x8d: {  	[hbm4b:s5+s2] =	stream.indirect_vreg.scatter [tilespmem:s13], [sflag:$0x1], $0x80, v3, vm0, $0xb8;
	[tilespmem:$0x18080] =	vst v63  }
0x8e: {  	v3 =	vld [tilespmem:$0x50];
	_ =	sdelay $0x4  }
0x8f: {  	v61 =	vshrl.u32 v3, $0x3  }
0x90: {  	v4 =	vmul.u32 $0x30, v61  }
0x91: {  	v3 =	vand.u32 $0x7, v3  }
0x92: {  	v3 =	vor.u32 v3, v4  }
0x93: {  	v4 =	vperm.xlane v3, v0;
	_ =	sdelay $0x1  }
0x94: {  	v4 =	vadd.s32 v1, v4;
	_ =	sdelay $0x3  }
0x95: {  	v3 =	vperm.xlane v3, v2  }
0x96: {  	[hbm4b:s3+s2] =	stream.indirect_vreg.scatter [tilespmem:s14], [sflag:$0x1], $0x80, v4, vm0, $0xb8;
	[tilespmem:$0x18080] =	vst v63  }
0x97: {  	v3 =	vadd.s32 v1, v3  }
0x98: {  	[hbm4b:s4+s2] =	stream.indirect_vreg.scatter [tilespmem:s15], [sflag:$0x1], $0x80, v4, vm0, $0xb8;
	[tilespmem:$0x18080] =	vst v63  }
0x99: {  	_ = 	snop  }
0x9a: {  	[hbm4b:s5+s2] =	stream.indirect_vreg.scatter [tilespmem:s16], [sflag:$0x1], $0x80, v4, vm0, $0xb8;
	[tilespmem:$0x18080] =	vst v63  }
0x9b: {  	_ = 	snop  }
0x9c: {  	[hbm4b:s3+s2] =	stream.indirect_vreg.scatter [tilespmem:s17], [sflag:$0x1], $0x80, v3, vm0, $0xb8;
	[tilespmem:$0x18080] =	vst v63  }
0x9d: {  	_ = 	snop  }
0x9e: {  	[hbm4b:s4+s2] =	stream.indirect_vreg.scatter [tilespmem:s18], [sflag:$0x1], $0x80, v3, vm0, $0xb8;
	[tilespmem:$0x18080] =	vst v63  }
0x9f: {  	_ = 	snop  }
0xa0: {  	[hbm4b:s5+s2] =	stream.indirect_vreg.scatter [tilespmem:s19], [sflag:$0x1], $0x80, v3, vm0, $0xb8;
	[tilespmem:$0x18080] =	vst v63  }
0xa1: {  	v3 =	vld [tilespmem:$0x60];
	_ =	sdelay $0x4  }
0xa2: {  	v62 =	vshrl.u32 v3, $0x3  }
0xa3: {  	v4 =	vmul.u32 $0x30, v62  }
0xa4: {  	v3 =	vand.u32 $0x7, v3  }
0xa5: {  	v3 =	vor.u32 v3, v4  }
0xa6: {  	v4 =	vperm.xlane v3, v0;
	_ =	sdelay $0x1  }
0xa7: {  	v4 =	vadd.s32 v1, v4;
	_ =	sdelay $0x3  }
0xa8: {  	v3 =	vperm.xlane v3, v2  }
0xa9: {  	[hbm4b:s3+s2] =	stream.indirect_vreg.scatter [tilespmem:s20], [sflag:$0x1], $0x80, v4, vm0, $0xb8;
	[tilespmem:$0x18080] =	vst v63  }
0xaa: {  	v3 =	vadd.s32 v1, v3  }
0xab: {  	[hbm4b:s4+s2] =	stream.indirect_vreg.scatter [tilespmem:s21], [sflag:$0x1], $0x80, v4, vm0, $0xb8;
	[tilespmem:$0x18080] =	vst v63  }
0xac: {  	_ = 	snop  }
0xad: {  	[hbm4b:s5+s2] =	stream.indirect_vreg.scatter [tilespmem:s22], [sflag:$0x1], $0x80, v4, vm0, $0xb8;
	[tilespmem:$0x18080] =	vst v63  }
0xae: {  	_ = 	snop  }
0xaf: {  	[hbm4b:s3+s2] =	stream.indirect_vreg.scatter [tilespmem:s23], [sflag:$0x1], $0x80, v3, vm0, $0xb8;
	[tilespmem:$0x18080] =	vst v63  }
0xb0: {  	_ = 	snop  }
0xb1: {  	[hbm4b:s4+s2] =	stream.indirect_vreg.scatter [tilespmem:s24], [sflag:$0x1], $0x80, v3, vm0, $0xb8;
	[tilespmem:$0x18080] =	vst v63  }
0xb2: {  	_ = 	snop  }
0xb3: {  	[hbm4b:s5+s2] =	stream.indirect_vreg.scatter [tilespmem:s25], [sflag:$0x1], $0x80, v3, vm0, $0xb8;
	[tilespmem:$0x18080] =	vst v63  }
0xb4: {  	v3 =	vld [tilespmem:$0x70];
	_ =	sdelay $0x4  }
0xb5: {  	v63 =	vshrl.u32 v3, $0x3  }
0xb6: {  	v4 =	vmul.u32 $0x30, v63  }
0xb7: {  	v3 =	vand.u32 $0x7, v3  }
0xb8: {  	v3 =	vor.u32 v3, v4  }
0xb9: {  	v4 =	vperm.xlane v3, v0;
	_ =	sdelay $0x1  }
0xba: {  	v4 =	vadd.s32 v1, v4;
	_ =	sdelay $0x3  }
0xbb: {  	v3 =	vperm.xlane v3, v2  }
0xbc: {  	[hbm4b:s3+s2] =	stream.indirect_vreg.scatter [tilespmem:s26], [sflag:$0x1], $0x80, v4, vm0, $0xb8;
	[tilespmem:$0x18080] =	vst v63  }
0xbd: {  	v3 =	vadd.s32 v1, v3  }
0xbe: {  	[hbm4b:s4+s2] =	stream.indirect_vreg.scatter [tilespmem:s28], [sflag:$0x1], $0x80, v4, vm0, $0xb8;
	[tilespmem:$0x18080] =	vst v63  }
0xbf: {  	_ = 	snop  }
0xc0: {  	[hbm4b:s5+s2] =	stream.indirect_vreg.scatter [tilespmem:s29], [sflag:$0x1], $0x80, v4, vm0, $0xb8;
	[tilespmem:$0x18080] =	vst v63  }
0xc1: {  	_ = 	snop  }
0xc2: {  	[hbm4b:s3+s2] =	stream.indirect_vreg.scatter [tilespmem:s30], [sflag:$0x1], $0x80, v3, vm0, $0xb8;
	[tilespmem:$0x18080] =	vst v63  }
0xc3: {  	p0 =	sne.s32 s6, $0x1  }
0xc4: {  	[hbm4b:s4+s2] =	stream.indirect_vreg.scatter [tilespmem:s31], [sflag:$0x1], $0x80, v3, vm0, $0xb8;
	[tilespmem:$0x18080] =	vst v63  }
.Ltmp0:
0xc5: {  	_ = 	snop;
	(pc) =	sbr.rel @p0 .LBB2_1-.Ltmp0, $4  }
0xc6: {  	[hbm4b:s5+s2] =	stream.indirect_vreg.scatter [tilespmem:s1], [sflag:$0x1], $0x80, v3, vm0, $0xb8;
	[tilespmem:$0x18080] =	vst v63  }
0xc7: {  	_ =	swait.ge [sflag:s7], $0x18000  }
0xc8: {  	[sflag:s7] =	ssyncset.done $0x0  }
0xc9: {  	s6 =	sadd.s32 $0xFFFFFFFF, s6;
	[sflag:s7] =	ssyncadd.s32 $0xFFFE8000  }
0xca: {  	_ =	sfence.sel $0x180000  }
0xcb: {  	[bflag:$0x0] =	sbarrier.arrive $0xFFFF  }
0xcc: {  	_ =	strace $0x90000047  }
0xcd: {  	s0 =	stileid.u32;
	[bflag:$0x2] =	sbarrier.arrive $0xFFFF  }
0xce: {  	p0 =	sne.s32 s0, $0x0;
	s0 =	rddreg [dreg:$0x1]  }
0xcf: {  	s0 =	sadd.s32 @!p0 $0x100000, s0  }
0xd0: {  	[sflag:s0] =	ssyncadd.tile.s32 @!p0 $0x1;
	_ =	shalt  }
.Lfunc_end2:
_tile_overlayer_lowered:
.L_overlay_start_2:
0xd1: {  	(tag) =	ssettag $0x2  }
0xd2: {  	s0 =	rddreg [dreg:$0x0];
	s2 =	stileid.u32  }
0xd3: {  	s1 =	rddreg [dreg:$0x1];
	p0 =	sne.s32 s2, $0x0  }
0xd4: {  	s3 =	rddreg [dreg:$0x2];
	[bflag:$0x3] =	sbarrier.arrive $0xFFFF;
	s2 =	simm.s32 @!p0 $0x1C01  }
0xd5: {  	[timem:s3], [sflag:s2] =	dma.local @!p0 [hbm:s0], s1  }
0xd6: {  	s0 =	simm.s32 @!p0 $0x1  }
0xd7: {  	_ =	swait.ge @!p0 [sflag:s0], s1  }
0xd8: {  	s1 =	ssub.s32 @!p0 $0x0, s1;
	[sflag:s0] =	ssyncset.done @!p0 $0x0  }
0xd9: {  	[sflag:s0] =	ssyncadd.s32 @!p0 s1  }
0xda: {  	[bflag:$0x3] =	sbarrier.arrive $0xFFFF  }
0xdb: {  	_ =	shalt  }

</sc_bundles>
